<compile_context>
chip_gen: v7x
topology: tpu7x:2x2x1
jax: 0.10.2.dev20260603
libtpu: 0.0.44.dev20260713+nightly
codegen_flags: <defaults>
</compile_context>

<pallas_src>
import functools

import jax
import jax.numpy as jnp
from jax import lax
from jax.experimental import pallas as pl
from jax.experimental.pallas import tpu as pltpu
from jax.experimental.pallas import tpu_sc as plsc


@functools.lru_cache(maxsize=None)
def _make_gather_mean(B, L, V, D):
  info = plsc.get_sparse_core_info()
  NC, NS, NL = info.num_cores, info.num_subcores, info.num_lanes
  NW = NC * NS
  assert B % NW == 0
  nb = B // NW
  C1 = 128
  C2 = L - C1
  assert 0 < C2 <= 128 and C2 % 8 == 0 and L % 8 == 0 and D % NL == 0
  nv = D // NL
  inv_l = 1.0 / L

  mesh = plsc.VectorSubcoreMesh(core_axis_name="c", subcore_axis_name="s")

  @functools.partial(
      pl.kernel,
      mesh=mesh,
      compiler_params=pltpu.CompilerParams(use_tc_tiling_on_sc=False),
      out_type=jax.ShapeDtypeStruct((B, D), jnp.float32),
      scratch_types=[
          pltpu.VMEM((nb, L), jnp.int32),
          pltpu.VMEM((2, L, D), jnp.float32),
          pltpu.VMEM((nb, D), jnp.float32),
          pltpu.SemaphoreType.DMA,
          pltpu.SemaphoreType.DMA,
      ],
  )
  def gather_mean(x_hbm, table_hbm, out_hbm, idx_v, rows_v, acc_v, sem0, sem1):
    wid = lax.axis_index("s") * NC + lax.axis_index("c")
    base = wid * nb
    sems = (sem0, sem1)

    pltpu.sync_copy(x_hbm.at[pl.ds(base, nb), :], idx_v)

    def copies(j, b):
      return (
          pltpu.make_async_copy(table_hbm.at[idx_v.at[j, pl.ds(0, C1)]],
                                rows_v.at[b].at[pl.ds(0, C1), :], sems[b]),
          pltpu.make_async_copy(table_hbm.at[idx_v.at[j, pl.ds(C1, C2)]],
                                rows_v.at[b].at[pl.ds(C1, C2), :], sems[b]),
      )

    def issue(j, b):
      for c in copies(j, b):
        c.start()

    def drain(j, b):
      for c in copies(j, b):
        c.wait()

    def accum(j, b):
      def body(it, accs):
        r0 = it * 8
        for rr in range(8):
          r = r0 + rr
          accs = tuple(accs[k] + rows_v[b, r, pl.ds(k * NL, NL)]
                       for k in range(nv))
        return accs
      zeros = tuple(jnp.zeros((NL,), jnp.float32) for _ in range(nv))
      accs = lax.fori_loop(0, L // 8, body, zeros)
      for k in range(nv):
        acc_v[j, pl.ds(k * NL, NL)] = accs[k] * inv_l

    issue(0, 0)
    issue(1, 1)

    def outer(i2, carry):
      for b in range(2):
        j = i2 * 2 + b
        drain(j, b)
        accum(j, b)

        @pl.when(j + 2 < nb)
        def _():
          issue(j + 2, b)
      return carry

    lax.fori_loop(0, nb // 2, outer, 0)

    pltpu.sync_copy(acc_v, out_hbm.at[pl.ds(base, nb), :])

  return gather_mean


def _mlp(h, W1, b1, W2, b2, Wo, bo):
  B, D = h.shape
  BB = 1024
  dn = (((1,), (1,)), ((), ()))

  def body(h_ref, w1_ref, b1_ref, w2_ref, b2_ref, wo_ref, bo_ref, out_ref):
    hh = h_ref[...]
    h1 = jnp.maximum(
        lax.dot_general(hh, w1_ref[...], dn,
                        preferred_element_type=jnp.float32) + b1_ref[...], 0.0)
    h2 = jnp.maximum(
        lax.dot_general(h1, w2_ref[...], dn,
                        preferred_element_type=jnp.float32) + b2_ref[...], 0.0)
    out_ref[...] = lax.dot_general(
        h2, wo_ref[...], dn,
        preferred_element_type=jnp.float32) + bo_ref[...]

  return pl.pallas_call(
      body,
      grid=(B // BB,),
      in_specs=[
          pl.BlockSpec((BB, D), lambda i: (i, 0)),
          pl.BlockSpec(W1.shape, lambda i: (0, 0)),
          pl.BlockSpec((1, b1.shape[0]), lambda i: (0, 0)),
          pl.BlockSpec(W2.shape, lambda i: (0, 0)),
          pl.BlockSpec((1, b2.shape[0]), lambda i: (0, 0)),
          pl.BlockSpec(Wo.shape, lambda i: (0, 0)),
          pl.BlockSpec((1, bo.shape[0]), lambda i: (0, 0)),
      ],
      out_specs=pl.BlockSpec((BB, Wo.shape[0]), lambda i: (i, 0)),
      out_shape=jax.ShapeDtypeStruct((B, Wo.shape[0]), jnp.float32),
  )(h, W1, b1.reshape(1, -1), W2, b2.reshape(1, -1), Wo, bo.reshape(1, -1))


def kernel(x, table, W1, b1, W2, b2, Wo, bo):
  B, L = x.shape
  V, D = table.shape
  h = _make_gather_mean(B, L, V, D)(x, table)
  return _mlp(h, W1, b1, W2, b2, Wo, bo)

# --- scband reference (transcript-rebuilt; emitter-appended) ---
"""Pipeline reference for scband-sentiment-model-33328946217274 (READ-ONLY COPY).

The authoritative reference and input builder live on the scoring server;
editing this copy changes nothing except your own understanding.
"""

import jax, jax.numpy as jnp
import numpy as np

B, L, V, D = 4096, 200, 1000000, 64
H1, H2, OUT = 512, 256, 2

def setup_inputs(seed: int = 0) -> dict:
    key = jax.random.key(seed)
    ks = jax.random.split(key, 8)
    x = jax.random.randint(ks[0], (B, L), 0, V, dtype=jnp.int32)
    table = jax.random.normal(ks[1], (V, D), dtype=jnp.float32) * 0.05
    W1 = jax.random.normal(ks[2], (H1, D), dtype=jnp.float32) * (1.0 / np.sqrt(D))
    b1 = jnp.zeros((H1,), dtype=jnp.float32)
    W2 = jax.random.normal(ks[3], (H2, H1), dtype=jnp.float32) * (1.0 / np.sqrt(H1))
    b2 = jnp.zeros((H2,), dtype=jnp.float32)
    Wo = jax.random.normal(ks[4], (OUT, H2), dtype=jnp.float32) * (1.0 / np.sqrt(H2))
    bo = jnp.zeros((OUT,), dtype=jnp.float32)
    return {"x": x, "table": table, "W1": W1, "b1": b1, "W2": W2, "b2": b2, "Wo": Wo, "bo": bo}

def reference(x, table, W1, b1, W2, b2, Wo, bo):
    # embedding lookup + mean over sequence dim
    h = jnp.take(table, x, axis=0).mean(axis=1)  # [B, D]
    # MLP layers (dropout is identity in eval/reference)
    h = jax.nn.relu(h @ W1.T + b1)
    h = jax.nn.relu(h @ W2.T + b2)
    return h @ Wo.T + bo  # [B, 2]

if __name__ == "__main__":
    import jax
    _d = setup_inputs()
    print(jax.jit(kernel)(*tuple(_d.values())))

</pallas_src>

<mosaic_0001>
#map = affine_map<(d0, d1) -> (0, 0)>
module attributes {stable_mosaic.version = 14 : i64} {
  func.func @gather_mean(%arg0: i32, %arg1: i32, %arg2: memref<4096x200xi32, #tpu.memory_space<hbm>>, %arg3: memref<1000000x64xf32, #tpu.memory_space<hbm>>, %arg4: memref<4096x64xf32, #tpu.memory_space<hbm>>, %arg5: memref<128x200xi32, #tpu.memory_space<vmem>>, %arg6: memref<2x200x64xf32, #tpu.memory_space<vmem>>, %arg7: memref<128x64xf32, #tpu.memory_space<vmem>>, %arg8: memref<!tpu.dma_semaphore, #tpu.memory_space<semaphore_mem>>, %arg9: memref<!tpu.dma_semaphore, #tpu.memory_space<semaphore_mem>>) attributes {dimension_semantics = [#tpu.dimension_semantics<core_parallel>, #tpu.dimension_semantics<subcore_parallel>], iteration_bounds = array<i64: 2, 16>, scalar_prefetch = 0 : i64, scratch_operands = 5 : i64, tpu.core_type = #tpu.core_type<sc_vector_subcore>, window_params = [{transform_indices = #map}, {transform_indices = #map}, {transform_indices = #map}]} {
    %mul3A = arith.constant 2 : i32
    %mul3A_0 = arith.muli %arg1, %mul3A : i32
    %add3A = arith.addi %mul3A_0, %arg0 : i32
    %mul3A_1 = arith.constant 128 : i32
    %mul3A_2 = arith.muli %add3A, %mul3A_1 : i32
    "tpu.region"() ({
      %run_scoped3A = tpu.sem_alloc : memref<!tpu.dma_semaphore, #tpu.memory_space<semaphore_mem>>
      %dma_start3A_67 = arith.constant 0 : i32
      %dma_start3A_68 = tpu.memref_slice %arg2[%mul3A_2, %dma_start3A_67] : memref<4096x200xi32, #tpu.memory_space<hbm>> -> memref<128x200xi32, #tpu.memory_space<hbm>>
      %dma_start3A_69 = arith.constant 0 : i32
      %dma_start3A_70 = tpu.memref_slice %arg2[%mul3A_2, %dma_start3A_69] : memref<4096x200xi32, #tpu.memory_space<hbm>> -> memref<128x200xi32, #tpu.memory_space<hbm>>
      tpu.enqueue_dma source(%dma_start3A_70 : memref<128x200xi32, #tpu.memory_space<hbm>>) target(%arg5 : memref<128x200xi32, #tpu.memory_space<vmem>>) target_semaphore(%run_scoped3A : memref<!tpu.dma_semaphore, #tpu.memory_space<semaphore_mem>>)
      %dma_wait3A = arith.constant 0 : i32
      %dma_wait3A_71 = tpu.memref_slice %arg2[%mul3A_2, %dma_wait3A] : memref<4096x200xi32, #tpu.memory_space<hbm>> -> memref<128x200xi32, #tpu.memory_space<hbm>>
      %dma_wait3A_72 = arith.constant 0 : i32
      %dma_wait3A_73 = tpu.memref_slice %arg2[%mul3A_2, %dma_wait3A_72] : memref<4096x200xi32, #tpu.memory_space<hbm>> -> memref<128x200xi32, #tpu.memory_space<hbm>>
      tpu.wait_dma2 semaphore(%run_scoped3A : memref<!tpu.dma_semaphore, #tpu.memory_space<semaphore_mem>>) src(%dma_wait3A_73 : memref<128x200xi32, #tpu.memory_space<hbm>>) dst(%arg5 : memref<128x200xi32, #tpu.memory_space<vmem>>)
      tpu.yield
    }) : () -> ()
    %dma_start3A = arith.constant 0 : i32
    %dma_start3A_3 = arith.constant 0 : i32
    %dma_start3A_4 = arith.constant 0 : i32
    %dma_start3A_5 = arith.constant 0 : i32
    %dma_start3A_6 = tpu.memref_slice %arg6[%dma_start3A_3, %dma_start3A_4, %dma_start3A_5] : memref<2x200x64xf32, #tpu.memory_space<vmem>> -> memref<1x200x64xf32, #tpu.memory_space<vmem>>
    %dma_start3A_7 = tpu.memref_squeeze %dma_start3A_6 : memref<1x200x64xf32, #tpu.memory_space<vmem>> -> memref<200x64xf32, #tpu.memory_space<vmem>>
    %dma_start3A_8 = arith.constant 0 : i32
    %dma_start3A_9 = arith.constant 0 : i32
    %dma_start3A_10 = tpu.memref_slice %dma_start3A_7[%dma_start3A_8, %dma_start3A_9] : memref<200x64xf32, #tpu.memory_space<vmem>> -> memref<128x64xf32, #tpu.memory_space<vmem>>
    %dma_start3A_11 = arith.constant 0 : i32
    %dma_start3A_12 = tpu.memref_slice %arg5[%dma_start3A, %dma_start3A_11] : memref<128x200xi32, #tpu.memory_space<vmem>> -> memref<1x128xi32, #tpu.memory_space<vmem>>
    %dma_start3A_13 = tpu.memref_squeeze %dma_start3A_12 : memref<1x128xi32, #tpu.memory_space<vmem>> -> memref<128xi32, #tpu.memory_space<vmem>>
    %dma_start3A_14 = arith.constant 0 : i32
    %dma_start3A_15 = arith.constant 0 : i32
    %dma_start3A_16 = tpu.memref_slice %arg3[%dma_start3A_14, %dma_start3A_15] : memref<1000000x64xf32, #tpu.memory_space<hbm>> -> memref<1000000x64xf32, #tpu.memory_space<hbm>>
    tpu.enqueue_indirect_dma source(%dma_start3A_16 : memref<1000000x64xf32, #tpu.memory_space<hbm>>) target(%dma_start3A_10 : memref<128x64xf32, #tpu.memory_space<vmem>>) offsets(%dma_start3A_13 : memref<128xi32, #tpu.memory_space<vmem>>) semaphore(%arg8 : memref<!tpu.dma_semaphore, #tpu.memory_space<semaphore_mem>>)
    %dma_start3A_17 = arith.constant 0 : i32
    %dma_start3A_18 = arith.constant 0 : i32
    %dma_start3A_19 = arith.constant 0 : i32
    %dma_start3A_20 = arith.constant 0 : i32
    %dma_start3A_21 = tpu.memref_slice %arg6[%dma_start3A_18, %dma_start3A_19, %dma_start3A_20] : memref<2x200x64xf32, #tpu.memory_space<vmem>> -> memref<1x200x64xf32, #tpu.memory_space<vmem>>
    %dma_start3A_22 = tpu.memref_squeeze %dma_start3A_21 : memref<1x200x64xf32, #tpu.memory_space<vmem>> -> memref<200x64xf32, #tpu.memory_space<vmem>>
    %dma_start3A_23 = arith.constant 128 : i32
    %dma_start3A_24 = arith.constant 0 : i32
    %dma_start3A_25 = tpu.memref_slice %dma_start3A_22[%dma_start3A_23, %dma_start3A_24] : memref<200x64xf32, #tpu.memory_space<vmem>> -> memref<72x64xf32, #tpu.memory_space<vmem>>
    %dma_start3A_26 = arith.constant 128 : i32
    %dma_start3A_27 = tpu.memref_slice %arg5[%dma_start3A_17, %dma_start3A_26] : memref<128x200xi32, #tpu.memory_space<vmem>> -> memref<1x72xi32, #tpu.memory_space<vmem>>
    %dma_start3A_28 = tpu.memref_squeeze %dma_start3A_27 : memref<1x72xi32, #tpu.memory_space<vmem>> -> memref<72xi32, #tpu.memory_space<vmem>>
    %dma_start3A_29 = arith.constant 0 : i32
    %dma_start3A_30 = arith.constant 0 : i32
    %dma_start3A_31 = tpu.memref_slice %arg3[%dma_start3A_29, %dma_start3A_30] : memref<1000000x64xf32, #tpu.memory_space<hbm>> -> memref<1000000x64xf32, #tpu.memory_space<hbm>>
    tpu.enqueue_indirect_dma source(%dma_start3A_31 : memref<1000000x64xf32, #tpu.memory_space<hbm>>) target(%dma_start3A_25 : memref<72x64xf32, #tpu.memory_space<vmem>>) offsets(%dma_start3A_28 : memref<72xi32, #tpu.memory_space<vmem>>) semaphore(%arg8 : memref<!tpu.dma_semaphore, #tpu.memory_space<semaphore_mem>>)
    %dma_start3A_32 = arith.constant 1 : i32
    %dma_start3A_33 = arith.constant 1 : i32
    %dma_start3A_34 = arith.constant 0 : i32
    %dma_start3A_35 = arith.constant 0 : i32
    %dma_start3A_36 = tpu.memref_slice %arg6[%dma_start3A_33, %dma_start3A_34, %dma_start3A_35] : memref<2x200x64xf32, #tpu.memory_space<vmem>> -> memref<1x200x64xf32, #tpu.memory_space<vmem>>
    %dma_start3A_37 = tpu.memref_squeeze %dma_start3A_36 : memref<1x200x64xf32, #tpu.memory_space<vmem>> -> memref<200x64xf32, #tpu.memory_space<vmem>>
    %dma_start3A_38 = arith.constant 0 : i32
    %dma_start3A_39 = arith.constant 0 : i32
    %dma_start3A_40 = tpu.memref_slice %dma_start3A_37[%dma_start3A_38, %dma_start3A_39] : memref<200x64xf32, #tpu.memory_space<vmem>> -> memref<128x64xf32, #tpu.memory_space<vmem>>
    %dma_start3A_41 = arith.constant 0 : i32
    %dma_start3A_42 = tpu.memref_slice %arg5[%dma_start3A_32, %dma_start3A_41] : memref<128x200xi32, #tpu.memory_space<vmem>> -> memref<1x128xi32, #tpu.memory_space<vmem>>
    %dma_start3A_43 = tpu.memref_squeeze %dma_start3A_42 : memref<1x128xi32, #tpu.memory_space<vmem>> -> memref<128xi32, #tpu.memory_space<vmem>>
    %dma_start3A_44 = arith.constant 0 : i32
    %dma_start3A_45 = arith.constant 0 : i32
    %dma_start3A_46 = tpu.memref_slice %arg3[%dma_start3A_44, %dma_start3A_45] : memref<1000000x64xf32, #tpu.memory_space<hbm>> -> memref<1000000x64xf32, #tpu.memory_space<hbm>>
    tpu.enqueue_indirect_dma source(%dma_start3A_46 : memref<1000000x64xf32, #tpu.memory_space<hbm>>) target(%dma_start3A_40 : memref<128x64xf32, #tpu.memory_space<vmem>>) offsets(%dma_start3A_43 : memref<128xi32, #tpu.memory_space<vmem>>) semaphore(%arg9 : memref<!tpu.dma_semaphore, #tpu.memory_space<semaphore_mem>>)
    %dma_start3A_47 = arith.constant 1 : i32
    %dma_start3A_48 = arith.constant 1 : i32
    %dma_start3A_49 = arith.constant 0 : i32
    %dma_start3A_50 = arith.constant 0 : i32
    %dma_start3A_51 = tpu.memref_slice %arg6[%dma_start3A_48, %dma_start3A_49, %dma_start3A_50] : memref<2x200x64xf32, #tpu.memory_space<vmem>> -> memref<1x200x64xf32, #tpu.memory_space<vmem>>
    %dma_start3A_52 = tpu.memref_squeeze %dma_start3A_51 : memref<1x200x64xf32, #tpu.memory_space<vmem>> -> memref<200x64xf32, #tpu.memory_space<vmem>>
    %dma_start3A_53 = arith.constant 128 : i32
    %dma_start3A_54 = arith.constant 0 : i32
    %dma_start3A_55 = tpu.memref_slice %dma_start3A_52[%dma_start3A_53, %dma_start3A_54] : memref<200x64xf32, #tpu.memory_space<vmem>> -> memref<72x64xf32, #tpu.memory_space<vmem>>
    %dma_start3A_56 = arith.constant 128 : i32
    %dma_start3A_57 = tpu.memref_slice %arg5[%dma_start3A_47, %dma_start3A_56] : memref<128x200xi32, #tpu.memory_space<vmem>> -> memref<1x72xi32, #tpu.memory_space<vmem>>
    %dma_start3A_58 = tpu.memref_squeeze %dma_start3A_57 : memref<1x72xi32, #tpu.memory_space<vmem>> -> memref<72xi32, #tpu.memory_space<vmem>>
    %dma_start3A_59 = arith.constant 0 : i32
    %dma_start3A_60 = arith.constant 0 : i32
    %dma_start3A_61 = tpu.memref_slice %arg3[%dma_start3A_59, %dma_start3A_60] : memref<1000000x64xf32, #tpu.memory_space<hbm>> -> memref<1000000x64xf32, #tpu.memory_space<hbm>>
    tpu.enqueue_indirect_dma source(%dma_start3A_61 : memref<1000000x64xf32, #tpu.memory_space<hbm>>) target(%dma_start3A_55 : memref<72x64xf32, #tpu.memory_space<vmem>>) offsets(%dma_start3A_58 : memref<72xi32, #tpu.memory_space<vmem>>) semaphore(%arg9 : memref<!tpu.dma_semaphore, #tpu.memory_space<semaphore_mem>>)
    %scan3A = arith.constant 0 : i32
    %scan3A_62 = arith.constant 0 : i32
    %scan3A_63 = arith.constant 64 : i32
    %scan3A_64 = arith.addi %scan3A_62, %scan3A_63 : i32
    %scan3A_65 = arith.constant 1 : i32
    scf.for %scan3A_67 = %scan3A_62 to %scan3A_64 step %scan3A_65  : i32 {
      %mul3A_68 = arith.constant 2 : i32
      %mul3A_69 = arith.muli %scan3A_67, %mul3A_68 : i32
      %add3A_70 = arith.constant 0 : i32
      %add3A_71 = arith.addi %mul3A_69, %add3A_70 : i32
      %dma_wait3A = arith.constant 0 : i32
      %dma_wait3A_72 = arith.constant 0 : i32
      %dma_wait3A_73 = arith.constant 0 : i32
      %dma_wait3A_74 = tpu.memref_slice %arg6[%dma_wait3A, %dma_wait3A_72, %dma_wait3A_73] : memref<2x200x64xf32, #tpu.memory_space<vmem>> -> memref<1x200x64xf32, #tpu.memory_space<vmem>>
      %dma_wait3A_75 = tpu.memref_squeeze %dma_wait3A_74 : memref<1x200x64xf32, #tpu.memory_space<vmem>> -> memref<200x64xf32, #tpu.memory_space<vmem>>
      %dma_wait3A_76 = arith.constant 0 : i32
      %dma_wait3A_77 = arith.constant 0 : i32
      %dma_wait3A_78 = tpu.memref_slice %dma_wait3A_75[%dma_wait3A_76, %dma_wait3A_77] : memref<200x64xf32, #tpu.memory_space<vmem>> -> memref<128x64xf32, #tpu.memory_space<vmem>>
      %dma_wait3A_79 = arith.constant 0 : i32
      %dma_wait3A_80 = tpu.memref_slice %arg5[%add3A_71, %dma_wait3A_79] : memref<128x200xi32, #tpu.memory_space<vmem>> -> memref<1x128xi32, #tpu.memory_space<vmem>>
      %dma_wait3A_81 = tpu.memref_squeeze %dma_wait3A_80 : memref<1x128xi32, #tpu.memory_space<vmem>> -> memref<128xi32, #tpu.memory_space<vmem>>
      %dma_wait3A_82 = arith.constant 0 : i32
      %dma_wait3A_83 = arith.constant 0 : i32
      %dma_wait3A_84 = tpu.memref_slice %arg3[%dma_wait3A_82, %dma_wait3A_83] : memref<1000000x64xf32, #tpu.memory_space<hbm>> -> memref<1000000x64xf32, #tpu.memory_space<hbm>>
      tpu.wait_indirect_dma semaphore(%arg8 : memref<!tpu.dma_semaphore, #tpu.memory_space<semaphore_mem>>) src(%dma_wait3A_84 : memref<1000000x64xf32, #tpu.memory_space<hbm>>) dst(%dma_wait3A_78 : memref<128x64xf32, #tpu.memory_space<vmem>>)
      %dma_wait3A_85 = arith.constant 0 : i32
      %dma_wait3A_86 = arith.constant 0 : i32
      %dma_wait3A_87 = arith.constant 0 : i32
      %dma_wait3A_88 = tpu.memref_slice %arg6[%dma_wait3A_85, %dma_wait3A_86, %dma_wait3A_87] : memref<2x200x64xf32, #tpu.memory_space<vmem>> -> memref<1x200x64xf32, #tpu.memory_space<vmem>>
      %dma_wait3A_89 = tpu.memref_squeeze %dma_wait3A_88 : memref<1x200x64xf32, #tpu.memory_space<vmem>> -> memref<200x64xf32, #tpu.memory_space<vmem>>
      %dma_wait3A_90 = arith.constant 128 : i32
      %dma_wait3A_91 = arith.constant 0 : i32
      %dma_wait3A_92 = tpu.memref_slice %dma_wait3A_89[%dma_wait3A_90, %dma_wait3A_91] : memref<200x64xf32, #tpu.memory_space<vmem>> -> memref<72x64xf32, #tpu.memory_space<vmem>>
      %dma_wait3A_93 = arith.constant 128 : i32
      %dma_wait3A_94 = tpu.memref_slice %arg5[%add3A_71, %dma_wait3A_93] : memref<128x200xi32, #tpu.memory_space<vmem>> -> memref<1x72xi32, #tpu.memory_space<vmem>>
      %dma_wait3A_95 = tpu.memref_squeeze %dma_wait3A_94 : memref<1x72xi32, #tpu.memory_space<vmem>> -> memref<72xi32, #tpu.memory_space<vmem>>
      %dma_wait3A_96 = arith.constant 0 : i32
      %dma_wait3A_97 = arith.constant 0 : i32
      %dma_wait3A_98 = tpu.memref_slice %arg3[%dma_wait3A_96, %dma_wait3A_97] : memref<1000000x64xf32, #tpu.memory_space<hbm>> -> memref<1000000x64xf32, #tpu.memory_space<hbm>>
      tpu.wait_indirect_dma semaphore(%arg8 : memref<!tpu.dma_semaphore, #tpu.memory_space<semaphore_mem>>) src(%dma_wait3A_98 : memref<1000000x64xf32, #tpu.memory_space<hbm>>) dst(%dma_wait3A_92 : memref<72x64xf32, #tpu.memory_space<vmem>>)
      %broadcast_in_dim3A = arith.constant 0.000000e+00 : f32
      %broadcast_in_dim3A_99 = vector.broadcast %broadcast_in_dim3A : f32 to vector<16xf32>
      %broadcast_in_dim3A_100 = arith.constant 0.000000e+00 : f32
      %broadcast_in_dim3A_101 = vector.broadcast %broadcast_in_dim3A_100 : f32 to vector<16xf32>
      %broadcast_in_dim3A_102 = arith.constant 0.000000e+00 : f32
      %broadcast_in_dim3A_103 = vector.broadcast %broadcast_in_dim3A_102 : f32 to vector<16xf32>
      %broadcast_in_dim3A_104 = arith.constant 0.000000e+00 : f32
      %broadcast_in_dim3A_105 = vector.broadcast %broadcast_in_dim3A_104 : f32 to vector<16xf32>
      %scan3A_106 = arith.constant 0 : i32
      %scan3A_107 = arith.constant 25 : i32
      %scan3A_108 = arith.addi %scan3A_106, %scan3A_107 : i32
      %scan3A_109 = arith.constant 1 : i32
      %scan3A_110:4 = scf.for %scan3A_232 = %scan3A_106 to %scan3A_108 step %scan3A_109 iter_args(%scan3A_233 = %broadcast_in_dim3A_99, %scan3A_234 = %broadcast_in_dim3A_101, %scan3A_235 = %broadcast_in_dim3A_103, %scan3A_236 = %broadcast_in_dim3A_105) -> (vector<16xf32>, vector<16xf32>, vector<16xf32>, vector<16xf32>)  : i32 {
        %mul3A_237 = arith.constant 8 : i32
        %mul3A_238 = arith.muli %scan3A_232, %mul3A_237 : i32
        %add3A_239 = arith.constant 0 : i32
        %add3A_240 = arith.addi %mul3A_238, %add3A_239 : i32
        %get3A = arith.constant 0 : i32
        %get3A_241 = arith.index_cast %get3A : i32 to index
        %get3A_242 = arith.index_cast %add3A_240 : i32 to index
        %get3A_243 = arith.constant 0 : index
        %get3A_244 = tpu.vector_load %arg6[%get3A_241, %get3A_242, %get3A_243] {strides = array<i32>} : memref<2x200x64xf32, #tpu.memory_space<vmem>>, vector<1x1x16xf32>,
        %get3A_245 = vector.shape_cast %get3A_244 : vector<1x1x16xf32> to vector<16xf32>
        %add3A_246 = arith.addf %scan3A_233, %get3A_245 : vector<16xf32>
        %get3A_247 = arith.constant 0 : i32
        %get3A_248 = arith.index_cast %get3A_247 : i32 to index
        %get3A_249 = arith.index_cast %add3A_240 : i32 to index
        %get3A_250 = arith.constant 16 : index
        %get3A_251 = tpu.vector_load %arg6[%get3A_248, %get3A_249, %get3A_250] {strides = array<i32>} : memref<2x200x64xf32, #tpu.memory_space<vmem>>, vector<1x1x16xf32>,
        %get3A_252 = vector.shape_cast %get3A_251 : vector<1x1x16xf32> to vector<16xf32>
        %add3A_253 = arith.addf %scan3A_234, %get3A_252 : vector<16xf32>
        %get3A_254 = arith.constant 0 : i32
        %get3A_255 = arith.index_cast %get3A_254 : i32 to index
        %get3A_256 = arith.index_cast %add3A_240 : i32 to index
        %get3A_257 = arith.constant 32 : index
        %get3A_258 = tpu.vector_load %arg6[%get3A_255, %get3A_256, %get3A_257] {strides = array<i32>} : memref<2x200x64xf32, #tpu.memory_space<vmem>>, vector<1x1x16xf32>,
        %get3A_259 = vector.shape_cast %get3A_258 : vector<1x1x16xf32> to vector<16xf32>
        %add3A_260 = arith.addf %scan3A_235, %get3A_259 : vector<16xf32>
        %get3A_261 = arith.constant 0 : i32
        %get3A_262 = arith.index_cast %get3A_261 : i32 to index
        %get3A_263 = arith.index_cast %add3A_240 : i32 to index
        %get3A_264 = arith.constant 48 : index
        %get3A_265 = tpu.vector_load %arg6[%get3A_262, %get3A_263, %get3A_264] {strides = array<i32>} : memref<2x200x64xf32, #tpu.memory_space<vmem>>, vector<1x1x16xf32>,
        %get3A_266 = vector.shape_cast %get3A_265 : vector<1x1x16xf32> to vector<16xf32>
        %add3A_267 = arith.addf %scan3A_236, %get3A_266 : vector<16xf32>
        %add3A_268 = arith.constant 1 : i32
        %add3A_269 = arith.addi %mul3A_238, %add3A_268 : i32
        %get3A_270 = arith.constant 0 : i32
        %get3A_271 = arith.index_cast %get3A_270 : i32 to index
        %get3A_272 = arith.index_cast %add3A_269 : i32 to index
        %get3A_273 = arith.constant 0 : index
        %get3A_274 = tpu.vector_load %arg6[%get3A_271, %get3A_272, %get3A_273] {strides = array<i32>} : memref<2x200x64xf32, #tpu.memory_space<vmem>>, vector<1x1x16xf32>,
        %get3A_275 = vector.shape_cast %get3A_274 : vector<1x1x16xf32> to vector<16xf32>
        %add3A_276 = arith.addf %add3A_246, %get3A_275 : vector<16xf32>
        %get3A_277 = arith.constant 0 : i32
        %get3A_278 = arith.index_cast %get3A_277 : i32 to index
        %get3A_279 = arith.index_cast %add3A_269 : i32 to index
        %get3A_280 = arith.constant 16 : index
        %get3A_281 = tpu.vector_load %arg6[%get3A_278, %get3A_279, %get3A_280] {strides = array<i32>} : memref<2x200x64xf32, #tpu.memory_space<vmem>>, vector<1x1x16xf32>,
        %get3A_282 = vector.shape_cast %get3A_281 : vector<1x1x16xf32> to vector<16xf32>
        %add3A_283 = arith.addf %add3A_253, %get3A_282 : vector<16xf32>
        %get3A_284 = arith.constant 0 : i32
        %get3A_285 = arith.index_cast %get3A_284 : i32 to index
        %get3A_286 = arith.index_cast %add3A_269 : i32 to index
        %get3A_287 = arith.constant 32 : index
        %get3A_288 = tpu.vector_load %arg6[%get3A_285, %get3A_286, %get3A_287] {strides = array<i32>} : memref<2x200x64xf32, #tpu.memory_space<vmem>>, vector<1x1x16xf32>,
        %get3A_289 = vector.shape_cast %get3A_288 : vector<1x1x16xf32> to vector<16xf32>
        %add3A_290 = arith.addf %add3A_260, %get3A_289 : vector<16xf32>
        %get3A_291 = arith.constant 0 : i32
        %get3A_292 = arith.index_cast %get3A_291 : i32 to index
        %get3A_293 = arith.index_cast %add3A_269 : i32 to index
        %get3A_294 = arith.constant 48 : index
        %get3A_295 = tpu.vector_load %arg6[%get3A_292, %get3A_293, %get3A_294] {strides = array<i32>} : memref<2x200x64xf32, #tpu.memory_space<vmem>>, vector<1x1x16xf32>,
        %get3A_296 = vector.shape_cast %get3A_295 : vector<1x1x16xf32> to vector<16xf32>
        %add3A_297 = arith.addf %add3A_267, %get3A_296 : vector<16xf32>
        %add3A_298 = arith.constant 2 : i32
        %add3A_299 = arith.addi %mul3A_238, %add3A_298 : i32
        %get3A_300 = arith.constant 0 : i32
        %get3A_301 = arith.index_cast %get3A_300 : i32 to index
        %get3A_302 = arith.index_cast %add3A_299 : i32 to index
        %get3A_303 = arith.constant 0 : index
        %get3A_304 = tpu.vector_load %arg6[%get3A_301, %get3A_302, %get3A_303] {strides = array<i32>} : memref<2x200x64xf32, #tpu.memory_space<vmem>>, vector<1x1x16xf32>,
        %get3A_305 = vector.shape_cast %get3A_304 : vector<1x1x16xf32> to vector<16xf32>
        %add3A_306 = arith.addf %add3A_276, %get3A_305 : vector<16xf32>
        %get3A_307 = arith.constant 0 : i32
        %get3A_308 = arith.index_cast %get3A_307 : i32 to index
        %get3A_309 = arith.index_cast %add3A_299 : i32 to index
        %get3A_310 = arith.constant 16 : index
        %get3A_311 = tpu.vector_load %arg6[%get3A_308, %get3A_309, %get3A_310] {strides = array<i32>} : memref<2x200x64xf32, #tpu.memory_space<vmem>>, vector<1x1x16xf32>,
        %get3A_312 = vector.shape_cast %get3A_311 : vector<1x1x16xf32> to vector<16xf32>
        %add3A_313 = arith.addf %add3A_283, %get3A_312 : vector<16xf32>
        %get3A_314 = arith.constant 0 : i32
        %get3A_315 = arith.index_cast %get3A_314 : i32 to index
        %get3A_316 = arith.index_cast %add3A_299 : i32 to index
        %get3A_317 = arith.constant 32 : index
        %get3A_318 = tpu.vector_load %arg6[%get3A_315, %get3A_316, %get3A_317] {strides = array<i32>} : memref<2x200x64xf32, #tpu.memory_space<vmem>>, vector<1x1x16xf32>,
        %get3A_319 = vector.shape_cast %get3A_318 : vector<1x1x16xf32> to vector<16xf32>
        %add3A_320 = arith.addf %add3A_290, %get3A_319 : vector<16xf32>
        %get3A_321 = arith.constant 0 : i32
        %get3A_322 = arith.index_cast %get3A_321 : i32 to index
        %get3A_323 = arith.index_cast %add3A_299 : i32 to index
        %get3A_324 = arith.constant 48 : index
        %get3A_325 = tpu.vector_load %arg6[%get3A_322, %get3A_323, %get3A_324] {strides = array<i32>} : memref<2x200x64xf32, #tpu.memory_space<vmem>>, vector<1x1x16xf32>,
        %get3A_326 = vector.shape_cast %get3A_325 : vector<1x1x16xf32> to vector<16xf32>
        %add3A_327 = arith.addf %add3A_297, %get3A_326 : vector<16xf32>
        %add3A_328 = arith.constant 3 : i32
        %add3A_329 = arith.addi %mul3A_238, %add3A_328 : i32
        %get3A_330 = arith.constant 0 : i32
        %get3A_331 = arith.index_cast %get3A_330 : i32 to index
        %get3A_332 = arith.index_cast %add3A_329 : i32 to index
        %get3A_333 = arith.constant 0 : index
        %get3A_334 = tpu.vector_load %arg6[%get3A_331, %get3A_332, %get3A_333] {strides = array<i32>} : memref<2x200x64xf32, #tpu.memory_space<vmem>>, vector<1x1x16xf32>,
        %get3A_335 = vector.shape_cast %get3A_334 : vector<1x1x16xf32> to vector<16xf32>
        %add3A_336 = arith.addf %add3A_306, %get3A_335 : vector<16xf32>
        %get3A_337 = arith.constant 0 : i32
        %get3A_338 = arith.index_cast %get3A_337 : i32 to index
        %get3A_339 = arith.index_cast %add3A_329 : i32 to index
        %get3A_340 = arith.constant 16 : index
        %get3A_341 = tpu.vector_load %arg6[%get3A_338, %get3A_339, %get3A_340] {strides = array<i32>} : memref<2x200x64xf32, #tpu.memory_space<vmem>>, vector<1x1x16xf32>,
        %get3A_342 = vector.shape_cast %get3A_341 : vector<1x1x16xf32> to vector<16xf32>
        %add3A_343 = arith.addf %add3A_313, %get3A_342 : vector<16xf32>
        %get3A_344 = arith.constant 0 : i32
        %get3A_345 = arith.index_cast %get3A_344 : i32 to index
        %get3A_346 = arith.index_cast %add3A_329 : i32 to index
        %get3A_347 = arith.constant 32 : index
        %get3A_348 = tpu.vector_load %arg6[%get3A_345, %get3A_346, %get3A_347] {strides = array<i32>} : memref<2x200x64xf32, #tpu.memory_space<vmem>>, vector<1x1x16xf32>,
        %get3A_349 = vector.shape_cast %get3A_348 : vector<1x1x16xf32> to vector<16xf32>
        %add3A_350 = arith.addf %add3A_320, %get3A_349 : vector<16xf32>
        %get3A_351 = arith.constant 0 : i32
        %get3A_352 = arith.index_cast %get3A_351 : i32 to index
        %get3A_353 = arith.index_cast %add3A_329 : i32 to index
        %get3A_354 = arith.constant 48 : index
        %get3A_355 = tpu.vector_load %arg6[%get3A_352, %get3A_353, %get3A_354] {strides = array<i32>} : memref<2x200x64xf32, #tpu.memory_space<vmem>>, vector<1x1x16xf32>,
        %get3A_356 = vector.shape_cast %get3A_355 : vector<1x1x16xf32> to vector<16xf32>
        %add3A_357 = arith.addf %add3A_327, %get3A_356 : vector<16xf32>
        %add3A_358 = arith.constant 4 : i32
        %add3A_359 = arith.addi %mul3A_238, %add3A_358 : i32
        %get3A_360 = arith.constant 0 : i32
        %get3A_361 = arith.index_cast %get3A_360 : i32 to index
        %get3A_362 = arith.index_cast %add3A_359 : i32 to index
        %get3A_363 = arith.constant 0 : index
        %get3A_364 = tpu.vector_load %arg6[%get3A_361, %get3A_362, %get3A_363] {strides = array<i32>} : memref<2x200x64xf32, #tpu.memory_space<vmem>>, vector<1x1x16xf32>,
        %get3A_365 = vector.shape_cast %get3A_364 : vector<1x1x16xf32> to vector<16xf32>
        %add3A_366 = arith.addf %add3A_336, %get3A_365 : vector<16xf32>
        %get3A_367 = arith.constant 0 : i32
        %get3A_368 = arith.index_cast %get3A_367 : i32 to index
        %get3A_369 = arith.index_cast %add3A_359 : i32 to index
        %get3A_370 = arith.constant 16 : index
        %get3A_371 = tpu.vector_load %arg6[%get3A_368, %get3A_369, %get3A_370] {strides = array<i32>} : memref<2x200x64xf32, #tpu.memory_space<vmem>>, vector<1x1x16xf32>,
        %get3A_372 = vector.shape_cast %get3A_371 : vector<1x1x16xf32> to vector<16xf32>
        %add3A_373 = arith.addf %add3A_343, %get3A_372 : vector<16xf32>
        %get3A_374 = arith.constant 0 : i32
        %get3A_375 = arith.index_cast %get3A_374 : i32 to index
        %get3A_376 = arith.index_cast %add3A_359 : i32 to index
        %get3A_377 = arith.constant 32 : index
        %get3A_378 = tpu.vector_load %arg6[%get3A_375, %get3A_376, %get3A_377] {strides = array<i32>} : memref<2x200x64xf32, #tpu.memory_space<vmem>>, vector<1x1x16xf32>,
        %get3A_379 = vector.shape_cast %get3A_378 : vector<1x1x16xf32> to vector<16xf32>
        %add3A_380 = arith.addf %add3A_350, %get3A_379 : vector<16xf32>
        %get3A_381 = arith.constant 0 : i32
        %get3A_382 = arith.index_cast %get3A_381 : i32 to index
        %get3A_383 = arith.index_cast %add3A_359 : i32 to index
        %get3A_384 = arith.constant 48 : index
        %get3A_385 = tpu.vector_load %arg6[%get3A_382, %get3A_383, %get3A_384] {strides = array<i32>} : memref<2x200x64xf32, #tpu.memory_space<vmem>>, vector<1x1x16xf32>,
        %get3A_386 = vector.shape_cast %get3A_385 : vector<1x1x16xf32> to vector<16xf32>
        %add3A_387 = arith.addf %add3A_357, %get3A_386 : vector<16xf32>
        %add3A_388 = arith.constant 5 : i32
        %add3A_389 = arith.addi %mul3A_238, %add3A_388 : i32
        %get3A_390 = arith.constant 0 : i32
        %get3A_391 = arith.index_cast %get3A_390 : i32 to index
        %get3A_392 = arith.index_cast %add3A_389 : i32 to index
        %get3A_393 = arith.constant 0 : index
        %get3A_394 = tpu.vector_load %arg6[%get3A_391, %get3A_392, %get3A_393] {strides = array<i32>} : memref<2x200x64xf32, #tpu.memory_space<vmem>>, vector<1x1x16xf32>,
        %get3A_395 = vector.shape_cast %get3A_394 : vector<1x1x16xf32> to vector<16xf32>
        %add3A_396 = arith.addf %add3A_366, %get3A_395 : vector<16xf32>
        %get3A_397 = arith.constant 0 : i32
        %get3A_398 = arith.index_cast %get3A_397 : i32 to index
        %get3A_399 = arith.index_cast %add3A_389 : i32 to index
        %get3A_400 = arith.constant 16 : index
        %get3A_401 = tpu.vector_load %arg6[%get3A_398, %get3A_399, %get3A_400] {strides = array<i32>} : memref<2x200x64xf32, #tpu.memory_space<vmem>>, vector<1x1x16xf32>,
        %get3A_402 = vector.shape_cast %get3A_401 : vector<1x1x16xf32> to vector<16xf32>
        %add3A_403 = arith.addf %add3A_373, %get3A_402 : vector<16xf32>
        %get3A_404 = arith.constant 0 : i32
        %get3A_405 = arith.index_cast %get3A_404 : i32 to index
        %get3A_406 = arith.index_cast %add3A_389 : i32 to index
        %get3A_407 = arith.constant 32 : index
        %get3A_408 = tpu.vector_load %arg6[%get3A_405, %get3A_406, %get3A_407] {strides = array<i32>} : memref<2x200x64xf32, #tpu.memory_space<vmem>>, vector<1x1x16xf32>,
        %get3A_409 = vector.shape_cast %get3A_408 : vector<1x1x16xf32> to vector<16xf32>
        %add3A_410 = arith.addf %add3A_380, %get3A_409 : vector<16xf32>
        %get3A_411 = arith.constant 0 : i32
        %get3A_412 = arith.index_cast %get3A_411 : i32 to index
        %get3A_413 = arith.index_cast %add3A_389 : i32 to index
        %get3A_414 = arith.constant 48 : index
        %get3A_415 = tpu.vector_load %arg6[%get3A_412, %get3A_413, %get3A_414] {strides = array<i32>} : memref<2x200x64xf32, #tpu.memory_space<vmem>>, vector<1x1x16xf32>,
        %get3A_416 = vector.shape_cast %get3A_415 : vector<1x1x16xf32> to vector<16xf32>
        %add3A_417 = arith.addf %add3A_387, %get3A_416 : vector<16xf32>
        %add3A_418 = arith.constant 6 : i32
        %add3A_419 = arith.addi %mul3A_238, %add3A_418 : i32
        %get3A_420 = arith.constant 0 : i32
        %get3A_421 = arith.index_cast %get3A_420 : i32 to index
        %get3A_422 = arith.index_cast %add3A_419 : i32 to index
        %get3A_423 = arith.constant 0 : index
        %get3A_424 = tpu.vector_load %arg6[%get3A_421, %get3A_422, %get3A_423] {strides = array<i32>} : memref<2x200x64xf32, #tpu.memory_space<vmem>>, vector<1x1x16xf32>,
        %get3A_425 = vector.shape_cast %get3A_424 : vector<1x1x16xf32> to vector<16xf32>
        %add3A_426 = arith.addf %add3A_396, %get3A_425 : vector<16xf32>
        %get3A_427 = arith.constant 0 : i32
        %get3A_428 = arith.index_cast %get3A_427 : i32 to index
        %get3A_429 = arith.index_cast %add3A_419 : i32 to index
        %get3A_430 = arith.constant 16 : index
        %get3A_431 = tpu.vector_load %arg6[%get3A_428, %get3A_429, %get3A_430] {strides = array<i32>} : memref<2x200x64xf32, #tpu.memory_space<vmem>>, vector<1x1x16xf32>,
        %get3A_432 = vector.shape_cast %get3A_431 : vector<1x1x16xf32> to vector<16xf32>
        %add3A_433 = arith.addf %add3A_403, %get3A_432 : vector<16xf32>
        %get3A_434 = arith.constant 0 : i32
        %get3A_435 = arith.index_cast %get3A_434 : i32 to index
        %get3A_436 = arith.index_cast %add3A_419 : i32 to index
        %get3A_437 = arith.constant 32 : index
        %get3A_438 = tpu.vector_load %arg6[%get3A_435, %get3A_436, %get3A_437] {strides = array<i32>} : memref<2x200x64xf32, #tpu.memory_space<vmem>>, vector<1x1x16xf32>,
        %get3A_439 = vector.shape_cast %get3A_438 : vector<1x1x16xf32> to vector<16xf32>
        %add3A_440 = arith.addf %add3A_410, %get3A_439 : vector<16xf32>
        %get3A_441 = arith.constant 0 : i32
        %get3A_442 = arith.index_cast %get3A_441 : i32 to index
        %get3A_443 = arith.index_cast %add3A_419 : i32 to index
        %get3A_444 = arith.constant 48 : index
        %get3A_445 = tpu.vector_load %arg6[%get3A_442, %get3A_443, %get3A_444] {strides = array<i32>} : memref<2x200x64xf32, #tpu.memory_space<vmem>>, vector<1x1x16xf32>,
        %get3A_446 = vector.shape_cast %get3A_445 : vector<1x1x16xf32> to vector<16xf32>
        %add3A_447 = arith.addf %add3A_417, %get3A_446 : vector<16xf32>
        %add3A_448 = arith.constant 7 : i32
        %add3A_449 = arith.addi %mul3A_238, %add3A_448 : i32
        %get3A_450 = arith.constant 0 : i32
        %get3A_451 = arith.index_cast %get3A_450 : i32 to index
        %get3A_452 = arith.index_cast %add3A_449 : i32 to index
        %get3A_453 = arith.constant 0 : index
        %get3A_454 = tpu.vector_load %arg6[%get3A_451, %get3A_452, %get3A_453] {strides = array<i32>} : memref<2x200x64xf32, #tpu.memory_space<vmem>>, vector<1x1x16xf32>,
        %get3A_455 = vector.shape_cast %get3A_454 : vector<1x1x16xf32> to vector<16xf32>
        %add3A_456 = arith.addf %add3A_426, %get3A_455 : vector<16xf32>
        %get3A_457 = arith.constant 0 : i32
        %get3A_458 = arith.index_cast %get3A_457 : i32 to index
        %get3A_459 = arith.index_cast %add3A_449 : i32 to index
        %get3A_460 = arith.constant 16 : index
        %get3A_461 = tpu.vector_load %arg6[%get3A_458, %get3A_459, %get3A_460] {strides = array<i32>} : memref<2x200x64xf32, #tpu.memory_space<vmem>>, vector<1x1x16xf32>,
        %get3A_462 = vector.shape_cast %get3A_461 : vector<1x1x16xf32> to vector<16xf32>
        %add3A_463 = arith.addf %add3A_433, %get3A_462 : vector<16xf32>
        %get3A_464 = arith.constant 0 : i32
        %get3A_465 = arith.index_cast %get3A_464 : i32 to index
        %get3A_466 = arith.index_cast %add3A_449 : i32 to index
        %get3A_467 = arith.constant 32 : index
        %get3A_468 = tpu.vector_load %arg6[%get3A_465, %get3A_466, %get3A_467] {strides = array<i32>} : memref<2x200x64xf32, #tpu.memory_space<vmem>>, vector<1x1x16xf32>,
        %get3A_469 = vector.shape_cast %get3A_468 : vector<1x1x16xf32> to vector<16xf32>
        %add3A_470 = arith.addf %add3A_440, %get3A_469 : vector<16xf32>
        %get3A_471 = arith.constant 0 : i32
        %get3A_472 = arith.index_cast %get3A_471 : i32 to index
        %get3A_473 = arith.index_cast %add3A_449 : i32 to index
        %get3A_474 = arith.constant 48 : index
        %get3A_475 = tpu.vector_load %arg6[%get3A_472, %get3A_473, %get3A_474] {strides = array<i32>} : memref<2x200x64xf32, #tpu.memory_space<vmem>>, vector<1x1x16xf32>,
        %get3A_476 = vector.shape_cast %get3A_475 : vector<1x1x16xf32> to vector<16xf32>
        %add3A_477 = arith.addf %add3A_447, %get3A_476 : vector<16xf32>
        scf.yield %add3A_456, %add3A_463, %add3A_470, %add3A_477 : vector<16xf32>, vector<16xf32>, vector<16xf32>, vector<16xf32>
      }
      %scan3A_111 = arith.constant 25 : i32
      %mul3A_112 = arith.constant 5.000000e-03 : f32
      %mul3A_113 = vector.broadcast %mul3A_112 : f32 to vector<16xf32>
      %mul3A_114 = arith.mulf %scan3A_110#0, %mul3A_113 : vector<16xf32>
      %swap3A = arith.index_cast %add3A_71 : i32 to index
      %swap3A_115 = arith.constant 0 : index
      %swap3A_116 = tpu.vector_load %arg7[%swap3A, %swap3A_115] {strides = array<i32>} : memref<128x64xf32, #tpu.memory_space<vmem>>, vector<1x16xf32>,
      %swap3A_117 = vector.shape_cast %swap3A_116 : vector<1x16xf32> to vector<16xf32>
      %swap3A_118 = vector.shape_cast %mul3A_114 : vector<16xf32> to vector<1x16xf32>
      tpu.vector_store %arg7[%swap3A, %swap3A_115], %swap3A_118 {strides = array<i32>} : memref<128x64xf32, #tpu.memory_space<vmem>>, vector<1x16xf32>,
      %mul3A_119 = arith.constant 5.000000e-03 : f32
      %mul3A_120 = vector.broadcast %mul3A_119 : f32 to vector<16xf32>
      %mul3A_121 = arith.mulf %scan3A_110#1, %mul3A_120 : vector<16xf32>
      %swap3A_122 = arith.index_cast %add3A_71 : i32 to index
      %swap3A_123 = arith.constant 16 : index
      %swap3A_124 = tpu.vector_load %arg7[%swap3A_122, %swap3A_123] {strides = array<i32>} : memref<128x64xf32, #tpu.memory_space<vmem>>, vector<1x16xf32>,
      %swap3A_125 = vector.shape_cast %swap3A_124 : vector<1x16xf32> to vector<16xf32>
      %swap3A_126 = vector.shape_cast %mul3A_121 : vector<16xf32> to vector<1x16xf32>
      tpu.vector_store %arg7[%swap3A_122, %swap3A_123], %swap3A_126 {strides = array<i32>} : memref<128x64xf32, #tpu.memory_space<vmem>>, vector<1x16xf32>,
      %mul3A_127 = arith.constant 5.000000e-03 : f32
      %mul3A_128 = vector.broadcast %mul3A_127 : f32 to vector<16xf32>
      %mul3A_129 = arith.mulf %scan3A_110#2, %mul3A_128 : vector<16xf32>
      %swap3A_130 = arith.index_cast %add3A_71 : i32 to index
      %swap3A_131 = arith.constant 32 : index
      %swap3A_132 = tpu.vector_load %arg7[%swap3A_130, %swap3A_131] {strides = array<i32>} : memref<128x64xf32, #tpu.memory_space<vmem>>, vector<1x16xf32>,
      %swap3A_133 = vector.shape_cast %swap3A_132 : vector<1x16xf32> to vector<16xf32>
      %swap3A_134 = vector.shape_cast %mul3A_129 : vector<16xf32> to vector<1x16xf32>
      tpu.vector_store %arg7[%swap3A_130, %swap3A_131], %swap3A_134 {strides = array<i32>} : memref<128x64xf32, #tpu.memory_space<vmem>>, vector<1x16xf32>,
      %mul3A_135 = arith.constant 5.000000e-03 : f32
      %mul3A_136 = vector.broadcast %mul3A_135 : f32 to vector<16xf32>
      %mul3A_137 = arith.mulf %scan3A_110#3, %mul3A_136 : vector<16xf32>
      %swap3A_138 = arith.index_cast %add3A_71 : i32 to index
      %swap3A_139 = arith.constant 48 : index
      %swap3A_140 = tpu.vector_load %arg7[%swap3A_138, %swap3A_139] {strides = array<i32>} : memref<128x64xf32, #tpu.memory_space<vmem>>, vector<1x16xf32>,
      %swap3A_141 = vector.shape_cast %swap3A_140 : vector<1x16xf32> to vector<16xf32>
      %swap3A_142 = vector.shape_cast %mul3A_137 : vector<16xf32> to vector<1x16xf32>
      tpu.vector_store %arg7[%swap3A_138, %swap3A_139], %swap3A_142 {strides = array<i32>} : memref<128x64xf32, #tpu.memory_space<vmem>>, vector<1x16xf32>,
      %add3A_143 = arith.constant 2 : i32
      %add3A_144 = arith.addi %add3A_71, %add3A_143 : i32
      %lt3A = arith.constant 128 : i32
      %lt3A_145 = arith.cmpi slt, %add3A_144, %lt3A : i32
      %convert_element_type3A = arith.extui %lt3A_145 : i1 to i32
      %cond3A = arith.constant 0 : i32
      %cond3A_146 = arith.cmpi ne, %convert_element_type3A, %cond3A : i32
      scf.if %cond3A_146 {
        %add3A_232 = arith.constant 2 : i32
        %add3A_233 = arith.addi %add3A_71, %add3A_232 : i32
        %dma_start3A_234 = arith.constant 0 : i32
        %dma_start3A_235 = arith.constant 0 : i32
        %dma_start3A_236 = arith.constant 0 : i32
        %dma_start3A_237 = tpu.memref_slice %arg6[%dma_start3A_234, %dma_start3A_235, %dma_start3A_236] : memref<2x200x64xf32, #tpu.memory_space<vmem>> -> memref<1x200x64xf32, #tpu.memory_space<vmem>>
        %dma_start3A_238 = tpu.memref_squeeze %dma_start3A_237 : memref<1x200x64xf32, #tpu.memory_space<vmem>> -> memref<200x64xf32, #tpu.memory_space<vmem>>
        %dma_start3A_239 = arith.constant 0 : i32
        %dma_start3A_240 = arith.constant 0 : i32
        %dma_start3A_241 = tpu.memref_slice %dma_start3A_238[%dma_start3A_239, %dma_start3A_240] : memref<200x64xf32, #tpu.memory_space<vmem>> -> memref<128x64xf32, #tpu.memory_space<vmem>>
        %dma_start3A_242 = arith.constant 0 : i32
        %dma_start3A_243 = tpu.memref_slice %arg5[%add3A_233, %dma_start3A_242] : memref<128x200xi32, #tpu.memory_space<vmem>> -> memref<1x128xi32, #tpu.memory_space<vmem>>
        %dma_start3A_244 = tpu.memref_squeeze %dma_start3A_243 : memref<1x128xi32, #tpu.memory_space<vmem>> -> memref<128xi32, #tpu.memory_space<vmem>>
        %dma_start3A_245 = arith.constant 0 : i32
        %dma_start3A_246 = arith.constant 0 : i32
        %dma_start3A_247 = tpu.memref_slice %arg3[%dma_start3A_245, %dma_start3A_246] : memref<1000000x64xf32, #tpu.memory_space<hbm>> -> memref<1000000x64xf32, #tpu.memory_space<hbm>>
        tpu.enqueue_indirect_dma source(%dma_start3A_247 : memref<1000000x64xf32, #tpu.memory_space<hbm>>) target(%dma_start3A_241 : memref<128x64xf32, #tpu.memory_space<vmem>>) offsets(%dma_start3A_244 : memref<128xi32, #tpu.memory_space<vmem>>) semaphore(%arg8 : memref<!tpu.dma_semaphore, #tpu.memory_space<semaphore_mem>>)
        %dma_start3A_248 = arith.constant 0 : i32
        %dma_start3A_249 = arith.constant 0 : i32
        %dma_start3A_250 = arith.constant 0 : i32
        %dma_start3A_251 = tpu.memref_slice %arg6[%dma_start3A_248, %dma_start3A_249, %dma_start3A_250] : memref<2x200x64xf32, #tpu.memory_space<vmem>> -> memref<1x200x64xf32, #tpu.memory_space<vmem>>
        %dma_start3A_252 = tpu.memref_squeeze %dma_start3A_251 : memref<1x200x64xf32, #tpu.memory_space<vmem>> -> memref<200x64xf32, #tpu.memory_space<vmem>>
        %dma_start3A_253 = arith.constant 128 : i32
        %dma_start3A_254 = arith.constant 0 : i32
        %dma_start3A_255 = tpu.memref_slice %dma_start3A_252[%dma_start3A_253, %dma_start3A_254] : memref<200x64xf32, #tpu.memory_space<vmem>> -> memref<72x64xf32, #tpu.memory_space<vmem>>
        %dma_start3A_256 = arith.constant 128 : i32
        %dma_start3A_257 = tpu.memref_slice %arg5[%add3A_233, %dma_start3A_256] : memref<128x200xi32, #tpu.memory_space<vmem>> -> memref<1x72xi32, #tpu.memory_space<vmem>>
        %dma_start3A_258 = tpu.memref_squeeze %dma_start3A_257 : memref<1x72xi32, #tpu.memory_space<vmem>> -> memref<72xi32, #tpu.memory_space<vmem>>
        %dma_start3A_259 = arith.constant 0 : i32
        %dma_start3A_260 = arith.constant 0 : i32
        %dma_start3A_261 = tpu.memref_slice %arg3[%dma_start3A_259, %dma_start3A_260] : memref<1000000x64xf32, #tpu.memory_space<hbm>> -> memref<1000000x64xf32, #tpu.memory_space<hbm>>
        tpu.enqueue_indirect_dma source(%dma_start3A_261 : memref<1000000x64xf32, #tpu.memory_space<hbm>>) target(%dma_start3A_255 : memref<72x64xf32, #tpu.memory_space<vmem>>) offsets(%dma_start3A_258 : memref<72xi32, #tpu.memory_space<vmem>>) semaphore(%arg8 : memref<!tpu.dma_semaphore, #tpu.memory_space<semaphore_mem>>)
      } else {
      }
      %mul3A_147 = arith.constant 2 : i32
      %mul3A_148 = arith.muli %scan3A_67, %mul3A_147 : i32
      %add3A_149 = arith.constant 1 : i32
      %add3A_150 = arith.addi %mul3A_148, %add3A_149 : i32
      %dma_wait3A_151 = arith.constant 1 : i32
      %dma_wait3A_152 = arith.constant 0 : i32
      %dma_wait3A_153 = arith.constant 0 : i32
      %dma_wait3A_154 = tpu.memref_slice %arg6[%dma_wait3A_151, %dma_wait3A_152, %dma_wait3A_153] : memref<2x200x64xf32, #tpu.memory_space<vmem>> -> memref<1x200x64xf32, #tpu.memory_space<vmem>>
      %dma_wait3A_155 = tpu.memref_squeeze %dma_wait3A_154 : memref<1x200x64xf32, #tpu.memory_space<vmem>> -> memref<200x64xf32, #tpu.memory_space<vmem>>
      %dma_wait3A_156 = arith.constant 0 : i32
      %dma_wait3A_157 = arith.constant 0 : i32
      %dma_wait3A_158 = tpu.memref_slice %dma_wait3A_155[%dma_wait3A_156, %dma_wait3A_157] : memref<200x64xf32, #tpu.memory_space<vmem>> -> memref<128x64xf32, #tpu.memory_space<vmem>>
      %dma_wait3A_159 = arith.constant 0 : i32
      %dma_wait3A_160 = tpu.memref_slice %arg5[%add3A_150, %dma_wait3A_159] : memref<128x200xi32, #tpu.memory_space<vmem>> -> memref<1x128xi32, #tpu.memory_space<vmem>>
      %dma_wait3A_161 = tpu.memref_squeeze %dma_wait3A_160 : memref<1x128xi32, #tpu.memory_space<vmem>> -> memref<128xi32, #tpu.memory_space<vmem>>
      %dma_wait3A_162 = arith.constant 0 : i32
      %dma_wait3A_163 = arith.constant 0 : i32
      %dma_wait3A_164 = tpu.memref_slice %arg3[%dma_wait3A_162, %dma_wait3A_163] : memref<1000000x64xf32, #tpu.memory_space<hbm>> -> memref<1000000x64xf32, #tpu.memory_space<hbm>>
      tpu.wait_indirect_dma semaphore(%arg9 : memref<!tpu.dma_semaphore, #tpu.memory_space<semaphore_mem>>) src(%dma_wait3A_164 : memref<1000000x64xf32, #tpu.memory_space<hbm>>) dst(%dma_wait3A_158 : memref<128x64xf32, #tpu.memory_space<vmem>>)
      %dma_wait3A_165 = arith.constant 1 : i32
      %dma_wait3A_166 = arith.constant 0 : i32
      %dma_wait3A_167 = arith.constant 0 : i32
      %dma_wait3A_168 = tpu.memref_slice %arg6[%dma_wait3A_165, %dma_wait3A_166, %dma_wait3A_167] : memref<2x200x64xf32, #tpu.memory_space<vmem>> -> memref<1x200x64xf32, #tpu.memory_space<vmem>>
      %dma_wait3A_169 = tpu.memref_squeeze %dma_wait3A_168 : memref<1x200x64xf32, #tpu.memory_space<vmem>> -> memref<200x64xf32, #tpu.memory_space<vmem>>
      %dma_wait3A_170 = arith.constant 128 : i32
      %dma_wait3A_171 = arith.constant 0 : i32
      %dma_wait3A_172 = tpu.memref_slice %dma_wait3A_169[%dma_wait3A_170, %dma_wait3A_171] : memref<200x64xf32, #tpu.memory_space<vmem>> -> memref<72x64xf32, #tpu.memory_space<vmem>>
      %dma_wait3A_173 = arith.constant 128 : i32
      %dma_wait3A_174 = tpu.memref_slice %arg5[%add3A_150, %dma_wait3A_173] : memref<128x200xi32, #tpu.memory_space<vmem>> -> memref<1x72xi32, #tpu.memory_space<vmem>>
      %dma_wait3A_175 = tpu.memref_squeeze %dma_wait3A_174 : memref<1x72xi32, #tpu.memory_space<vmem>> -> memref<72xi32, #tpu.memory_space<vmem>>
      %dma_wait3A_176 = arith.constant 0 : i32
      %dma_wait3A_177 = arith.constant 0 : i32
      %dma_wait3A_178 = tpu.memref_slice %arg3[%dma_wait3A_176, %dma_wait3A_177] : memref<1000000x64xf32, #tpu.memory_space<hbm>> -> memref<1000000x64xf32, #tpu.memory_space<hbm>>
      tpu.wait_indirect_dma semaphore(%arg9 : memref<!tpu.dma_semaphore, #tpu.memory_space<semaphore_mem>>) src(%dma_wait3A_178 : memref<1000000x64xf32, #tpu.memory_space<hbm>>) dst(%dma_wait3A_172 : memref<72x64xf32, #tpu.memory_space<vmem>>)
      %broadcast_in_dim3A_179 = arith.constant 0.000000e+00 : f32
      %broadcast_in_dim3A_180 = vector.broadcast %broadcast_in_dim3A_179 : f32 to vector<16xf32>
      %broadcast_in_dim3A_181 = arith.constant 0.000000e+00 : f32
      %broadcast_in_dim3A_182 = vector.broadcast %broadcast_in_dim3A_181 : f32 to vector<16xf32>
      %broadcast_in_dim3A_183 = arith.constant 0.000000e+00 : f32
      %broadcast_in_dim3A_184 = vector.broadcast %broadcast_in_dim3A_183 : f32 to vector<16xf32>
      %broadcast_in_dim3A_185 = arith.constant 0.000000e+00 : f32
      %broadcast_in_dim3A_186 = vector.broadcast %broadcast_in_dim3A_185 : f32 to vector<16xf32>
      %scan3A_187 = arith.constant 0 : i32
      %scan3A_188 = arith.constant 25 : i32
      %scan3A_189 = arith.addi %scan3A_187, %scan3A_188 : i32
      %scan3A_190 = arith.constant 1 : i32
      %scan3A_191:4 = scf.for %scan3A_232 = %scan3A_187 to %scan3A_189 step %scan3A_190 iter_args(%scan3A_233 = %broadcast_in_dim3A_180, %scan3A_234 = %broadcast_in_dim3A_182, %scan3A_235 = %broadcast_in_dim3A_184, %scan3A_236 = %broadcast_in_dim3A_186) -> (vector<16xf32>, vector<16xf32>, vector<16xf32>, vector<16xf32>)  : i32 {
        %mul3A_237 = arith.constant 8 : i32
        %mul3A_238 = arith.muli %scan3A_232, %mul3A_237 : i32
        %add3A_239 = arith.constant 0 : i32
        %add3A_240 = arith.addi %mul3A_238, %add3A_239 : i32
        %get3A = arith.constant 1 : i32
        %get3A_241 = arith.index_cast %get3A : i32 to index
        %get3A_242 = arith.index_cast %add3A_240 : i32 to index
        %get3A_243 = arith.constant 0 : index
        %get3A_244 = tpu.vector_load %arg6[%get3A_241, %get3A_242, %get3A_243] {strides = array<i32>} : memref<2x200x64xf32, #tpu.memory_space<vmem>>, vector<1x1x16xf32>,
        %get3A_245 = vector.shape_cast %get3A_244 : vector<1x1x16xf32> to vector<16xf32>
        %add3A_246 = arith.addf %scan3A_233, %get3A_245 : vector<16xf32>
        %get3A_247 = arith.constant 1 : i32
        %get3A_248 = arith.index_cast %get3A_247 : i32 to index
        %get3A_249 = arith.index_cast %add3A_240 : i32 to index
        %get3A_250 = arith.constant 16 : index
        %get3A_251 = tpu.vector_load %arg6[%get3A_248, %get3A_249, %get3A_250] {strides = array<i32>} : memref<2x200x64xf32, #tpu.memory_space<vmem>>, vector<1x1x16xf32>,
        %get3A_252 = vector.shape_cast %get3A_251 : vector<1x1x16xf32> to vector<16xf32>
        %add3A_253 = arith.addf %scan3A_234, %get3A_252 : vector<16xf32>
        %get3A_254 = arith.constant 1 : i32
        %get3A_255 = arith.index_cast %get3A_254 : i32 to index
        %get3A_256 = arith.index_cast %add3A_240 : i32 to index
        %get3A_257 = arith.constant 32 : index
        %get3A_258 = tpu.vector_load %arg6[%get3A_255, %get3A_256, %get3A_257] {strides = array<i32>} : memref<2x200x64xf32, #tpu.memory_space<vmem>>, vector<1x1x16xf32>,
        %get3A_259 = vector.shape_cast %get3A_258 : vector<1x1x16xf32> to vector<16xf32>
        %add3A_260 = arith.addf %scan3A_235, %get3A_259 : vector<16xf32>
        %get3A_261 = arith.constant 1 : i32
        %get3A_262 = arith.index_cast %get3A_261 : i32 to index
        %get3A_263 = arith.index_cast %add3A_240 : i32 to index
        %get3A_264 = arith.constant 48 : index
        %get3A_265 = tpu.vector_load %arg6[%get3A_262, %get3A_263, %get3A_264] {strides = array<i32>} : memref<2x200x64xf32, #tpu.memory_space<vmem>>, vector<1x1x16xf32>,
        %get3A_266 = vector.shape_cast %get3A_265 : vector<1x1x16xf32> to vector<16xf32>
        %add3A_267 = arith.addf %scan3A_236, %get3A_266 : vector<16xf32>
        %add3A_268 = arith.constant 1 : i32
        %add3A_269 = arith.addi %mul3A_238, %add3A_268 : i32
        %get3A_270 = arith.constant 1 : i32
        %get3A_271 = arith.index_cast %get3A_270 : i32 to index
        %get3A_272 = arith.index_cast %add3A_269 : i32 to index
        %get3A_273 = arith.constant 0 : index
        %get3A_274 = tpu.vector_load %arg6[%get3A_271, %get3A_272, %get3A_273] {strides = array<i32>} : memref<2x200x64xf32, #tpu.memory_space<vmem>>, vector<1x1x16xf32>,
        %get3A_275 = vector.shape_cast %get3A_274 : vector<1x1x16xf32> to vector<16xf32>
        %add3A_276 = arith.addf %add3A_246, %get3A_275 : vector<16xf32>
        %get3A_277 = arith.constant 1 : i32
        %get3A_278 = arith.index_cast %get3A_277 : i32 to index
        %get3A_279 = arith.index_cast %add3A_269 : i32 to index
        %get3A_280 = arith.constant 16 : index
        %get3A_281 = tpu.vector_load %arg6[%get3A_278, %get3A_279, %get3A_280] {strides = array<i32>} : memref<2x200x64xf32, #tpu.memory_space<vmem>>, vector<1x1x16xf32>,
        %get3A_282 = vector.shape_cast %get3A_281 : vector<1x1x16xf32> to vector<16xf32>
        %add3A_283 = arith.addf %add3A_253, %get3A_282 : vector<16xf32>
        %get3A_284 = arith.constant 1 : i32
        %get3A_285 = arith.index_cast %get3A_284 : i32 to index
        %get3A_286 = arith.index_cast %add3A_269 : i32 to index
        %get3A_287 = arith.constant 32 : index
        %get3A_288 = tpu.vector_load %arg6[%get3A_285, %get3A_286, %get3A_287] {strides = array<i32>} : memref<2x200x64xf32, #tpu.memory_space<vmem>>, vector<1x1x16xf32>,
        %get3A_289 = vector.shape_cast %get3A_288 : vector<1x1x16xf32> to vector<16xf32>
        %add3A_290 = arith.addf %add3A_260, %get3A_289 : vector<16xf32>
        %get3A_291 = arith.constant 1 : i32
        %get3A_292 = arith.index_cast %get3A_291 : i32 to index
        %get3A_293 = arith.index_cast %add3A_269 : i32 to index
        %get3A_294 = arith.constant 48 : index
        %get3A_295 = tpu.vector_load %arg6[%get3A_292, %get3A_293, %get3A_294] {strides = array<i32>} : memref<2x200x64xf32, #tpu.memory_space<vmem>>, vector<1x1x16xf32>,
        %get3A_296 = vector.shape_cast %get3A_295 : vector<1x1x16xf32> to vector<16xf32>
        %add3A_297 = arith.addf %add3A_267, %get3A_296 : vector<16xf32>
        %add3A_298 = arith.constant 2 : i32
        %add3A_299 = arith.addi %mul3A_238, %add3A_298 : i32
        %get3A_300 = arith.constant 1 : i32
        %get3A_301 = arith.index_cast %get3A_300 : i32 to index
        %get3A_302 = arith.index_cast %add3A_299 : i32 to index
        %get3A_303 = arith.constant 0 : index
        %get3A_304 = tpu.vector_load %arg6[%get3A_301, %get3A_302, %get3A_303] {strides = array<i32>} : memref<2x200x64xf32, #tpu.memory_space<vmem>>, vector<1x1x16xf32>,
        %get3A_305 = vector.shape_cast %get3A_304 : vector<1x1x16xf32> to vector<16xf32>
        %add3A_306 = arith.addf %add3A_276, %get3A_305 : vector<16xf32>
        %get3A_307 = arith.constant 1 : i32
        %get3A_308 = arith.index_cast %get3A_307 : i32 to index
        %get3A_309 = arith.index_cast %add3A_299 : i32 to index
        %get3A_310 = arith.constant 16 : index
        %get3A_311 = tpu.vector_load %arg6[%get3A_308, %get3A_309, %get3A_310] {strides = array<i32>} : memref<2x200x64xf32, #tpu.memory_space<vmem>>, vector<1x1x16xf32>,
        %get3A_312 = vector.shape_cast %get3A_311 : vector<1x1x16xf32> to vector<16xf32>
        %add3A_313 = arith.addf %add3A_283, %get3A_312 : vector<16xf32>
        %get3A_314 = arith.constant 1 : i32
        %get3A_315 = arith.index_cast %get3A_314 : i32 to index
        %get3A_316 = arith.index_cast %add3A_299 : i32 to index
        %get3A_317 = arith.constant 32 : index
        %get3A_318 = tpu.vector_load %arg6[%get3A_315, %get3A_316, %get3A_317] {strides = array<i32>} : memref<2x200x64xf32, #tpu.memory_space<vmem>>, vector<1x1x16xf32>,
        %get3A_319 = vector.shape_cast %get3A_318 : vector<1x1x16xf32> to vector<16xf32>
        %add3A_320 = arith.addf %add3A_290, %get3A_319 : vector<16xf32>
        %get3A_321 = arith.constant 1 : i32
        %get3A_322 = arith.index_cast %get3A_321 : i32 to index
        %get3A_323 = arith.index_cast %add3A_299 : i32 to index
        %get3A_324 = arith.constant 48 : index
        %get3A_325 = tpu.vector_load %arg6[%get3A_322, %get3A_323, %get3A_324] {strides = array<i32>} : memref<2x200x64xf32, #tpu.memory_space<vmem>>, vector<1x1x16xf32>,
        %get3A_326 = vector.shape_cast %get3A_325 : vector<1x1x16xf32> to vector<16xf32>
        %add3A_327 = arith.addf %add3A_297, %get3A_326 : vector<16xf32>
        %add3A_328 = arith.constant 3 : i32
        %add3A_329 = arith.addi %mul3A_238, %add3A_328 : i32
        %get3A_330 = arith.constant 1 : i32
        %get3A_331 = arith.index_cast %get3A_330 : i32 to index
        %get3A_332 = arith.index_cast %add3A_329 : i32 to index
        %get3A_333 = arith.constant 0 : index
        %get3A_334 = tpu.vector_load %arg6[%get3A_331, %get3A_332, %get3A_333] {strides = array<i32>} : memref<2x200x64xf32, #tpu.memory_space<vmem>>, vector<1x1x16xf32>,
        %get3A_335 = vector.shape_cast %get3A_334 : vector<1x1x16xf32> to vector<16xf32>
        %add3A_336 = arith.addf %add3A_306, %get3A_335 : vector<16xf32>
        %get3A_337 = arith.constant 1 : i32
        %get3A_338 = arith.index_cast %get3A_337 : i32 to index
        %get3A_339 = arith.index_cast %add3A_329 : i32 to index
        %get3A_340 = arith.constant 16 : index
        %get3A_341 = tpu.vector_load %arg6[%get3A_338, %get3A_339, %get3A_340] {strides = array<i32>} : memref<2x200x64xf32, #tpu.memory_space<vmem>>, vector<1x1x16xf32>,
        %get3A_342 = vector.shape_cast %get3A_341 : vector<1x1x16xf32> to vector<16xf32>
        %add3A_343 = arith.addf %add3A_313, %get3A_342 : vector<16xf32>
        %get3A_344 = arith.constant 1 : i32
        %get3A_345 = arith.index_cast %get3A_344 : i32 to index
        %get3A_346 = arith.index_cast %add3A_329 : i32 to index
        %get3A_347 = arith.constant 32 : index
        %get3A_348 = tpu.vector_load %arg6[%get3A_345, %get3A_346, %get3A_347] {strides = array<i32>} : memref<2x200x64xf32, #tpu.memory_space<vmem>>, vector<1x1x16xf32>,
        %get3A_349 = vector.shape_cast %get3A_348 : vector<1x1x16xf32> to vector<16xf32>
        %add3A_350 = arith.addf %add3A_320, %get3A_349 : vector<16xf32>
        %get3A_351 = arith.constant 1 : i32
        %get3A_352 = arith.index_cast %get3A_351 : i32 to index
        %get3A_353 = arith.index_cast %add3A_329 : i32 to index
        %get3A_354 = arith.constant 48 : index
        %get3A_355 = tpu.vector_load %arg6[%get3A_352, %get3A_353, %get3A_354] {strides = array<i32>} : memref<2x200x64xf32, #tpu.memory_space<vmem>>, vector<1x1x16xf32>,
        %get3A_356 = vector.shape_cast %get3A_355 : vector<1x1x16xf32> to vector<16xf32>
        %add3A_357 = arith.addf %add3A_327, %get3A_356 : vector<16xf32>
        %add3A_358 = arith.constant 4 : i32
        %add3A_359 = arith.addi %mul3A_238, %add3A_358 : i32
        %get3A_360 = arith.constant 1 : i32
        %get3A_361 = arith.index_cast %get3A_360 : i32 to index
        %get3A_362 = arith.index_cast %add3A_359 : i32 to index
        %get3A_363 = arith.constant 0 : index
        %get3A_364 = tpu.vector_load %arg6[%get3A_361, %get3A_362, %get3A_363] {strides = array<i32>} : memref<2x200x64xf32, #tpu.memory_space<vmem>>, vector<1x1x16xf32>,
        %get3A_365 = vector.shape_cast %get3A_364 : vector<1x1x16xf32> to vector<16xf32>
        %add3A_366 = arith.addf %add3A_336, %get3A_365 : vector<16xf32>
        %get3A_367 = arith.constant 1 : i32
        %get3A_368 = arith.index_cast %get3A_367 : i32 to index
        %get3A_369 = arith.index_cast %add3A_359 : i32 to index
        %get3A_370 = arith.constant 16 : index
        %get3A_371 = tpu.vector_load %arg6[%get3A_368, %get3A_369, %get3A_370] {strides = array<i32>} : memref<2x200x64xf32, #tpu.memory_space<vmem>>, vector<1x1x16xf32>,
        %get3A_372 = vector.shape_cast %get3A_371 : vector<1x1x16xf32> to vector<16xf32>
        %add3A_373 = arith.addf %add3A_343, %get3A_372 : vector<16xf32>
        %get3A_374 = arith.constant 1 : i32
        %get3A_375 = arith.index_cast %get3A_374 : i32 to index
        %get3A_376 = arith.index_cast %add3A_359 : i32 to index
        %get3A_377 = arith.constant 32 : index
        %get3A_378 = tpu.vector_load %arg6[%get3A_375, %get3A_376, %get3A_377] {strides = array<i32>} : memref<2x200x64xf32, #tpu.memory_space<vmem>>, vector<1x1x16xf32>,
        %get3A_379 = vector.shape_cast %get3A_378 : vector<1x1x16xf32> to vector<16xf32>
        %add3A_380 = arith.addf %add3A_350, %get3A_379 : vector<16xf32>
        %get3A_381 = arith.constant 1 : i32
        %get3A_382 = arith.index_cast %get3A_381 : i32 to index
        %get3A_383 = arith.index_cast %add3A_359 : i32 to index
        %get3A_384 = arith.constant 48 : index
        %get3A_385 = tpu.vector_load %arg6[%get3A_382, %get3A_383, %get3A_384] {strides = array<i32>} : memref<2x200x64xf32, #tpu.memory_space<vmem>>, vector<1x1x16xf32>,
        %get3A_386 = vector.shape_cast %get3A_385 : vector<1x1x16xf32> to vector<16xf32>
        %add3A_387 = arith.addf %add3A_357, %get3A_386 : vector<16xf32>
        %add3A_388 = arith.constant 5 : i32
        %add3A_389 = arith.addi %mul3A_238, %add3A_388 : i32
        %get3A_390 = arith.constant 1 : i32
        %get3A_391 = arith.index_cast %get3A_390 : i32 to index
        %get3A_392 = arith.index_cast %add3A_389 : i32 to index
        %get3A_393 = arith.constant 0 : index
        %get3A_394 = tpu.vector_load %arg6[%get3A_391, %get3A_392, %get3A_393] {strides = array<i32>} : memref<2x200x64xf32, #tpu.memory_space<vmem>>, vector<1x1x16xf32>,
        %get3A_395 = vector.shape_cast %get3A_394 : vector<1x1x16xf32> to vector<16xf32>
        %add3A_396 = arith.addf %add3A_366, %get3A_395 : vector<16xf32>
        %get3A_397 = arith.constant 1 : i32
        %get3A_398 = arith.index_cast %get3A_397 : i32 to index
        %get3A_399 = arith.index_cast %add3A_389 : i32 to index
        %get3A_400 = arith.constant 16 : index
        %get3A_401 = tpu.vector_load %arg6[%get3A_398, %get3A_399, %get3A_400] {strides = array<i32>} : memref<2x200x64xf32, #tpu.memory_space<vmem>>, vector<1x1x16xf32>,
        %get3A_402 = vector.shape_cast %get3A_401 : vector<1x1x16xf32> to vector<16xf32>
        %add3A_403 = arith.addf %add3A_373, %get3A_402 : vector<16xf32>
        %get3A_404 = arith.constant 1 : i32
        %get3A_405 = arith.index_cast %get3A_404 : i32 to index
        %get3A_406 = arith.index_cast %add3A_389 : i32 to index
        %get3A_407 = arith.constant 32 : index
        %get3A_408 = tpu.vector_load %arg6[%get3A_405, %get3A_406, %get3A_407] {strides = array<i32>} : memref<2x200x64xf32, #tpu.memory_space<vmem>>, vector<1x1x16xf32>,
        %get3A_409 = vector.shape_cast %get3A_408 : vector<1x1x16xf32> to vector<16xf32>
        %add3A_410 = arith.addf %add3A_380, %get3A_409 : vector<16xf32>
        %get3A_411 = arith.constant 1 : i32
        %get3A_412 = arith.index_cast %get3A_411 : i32 to index
        %get3A_413 = arith.index_cast %add3A_389 : i32 to index
        %get3A_414 = arith.constant 48 : index
        %get3A_415 = tpu.vector_load %arg6[%get3A_412, %get3A_413, %get3A_414] {strides = array<i32>} : memref<2x200x64xf32, #tpu.memory_space<vmem>>, vector<1x1x16xf32>,
        %get3A_416 = vector.shape_cast %get3A_415 : vector<1x1x16xf32> to vector<16xf32>
        %add3A_417 = arith.addf %add3A_387, %get3A_416 : vector<16xf32>
        %add3A_418 = arith.constant 6 : i32
        %add3A_419 = arith.addi %mul3A_238, %add3A_418 : i32
        %get3A_420 = arith.constant 1 : i32
        %get3A_421 = arith.index_cast %get3A_420 : i32 to index
        %get3A_422 = arith.index_cast %add3A_419 : i32 to index
        %get3A_423 = arith.constant 0 : index
        %get3A_424 = tpu.vector_load %arg6[%get3A_421, %get3A_422, %get3A_423] {strides = array<i32>} : memref<2x200x64xf32, #tpu.memory_space<vmem>>, vector<1x1x16xf32>,
        %get3A_425 = vector.shape_cast %get3A_424 : vector<1x1x16xf32> to vector<16xf32>
        %add3A_426 = arith.addf %add3A_396, %get3A_425 : vector<16xf32>
        %get3A_427 = arith.constant 1 : i32
        %get3A_428 = arith.index_cast %get3A_427 : i32 to index
        %get3A_429 = arith.index_cast %add3A_419 : i32 to index
        %get3A_430 = arith.constant 16 : index
        %get3A_431 = tpu.vector_load %arg6[%get3A_428, %get3A_429, %get3A_430] {strides = array<i32>} : memref<2x200x64xf32, #tpu.memory_space<vmem>>, vector<1x1x16xf32>,
        %get3A_432 = vector.shape_cast %get3A_431 : vector<1x1x16xf32> to vector<16xf32>
        %add3A_433 = arith.addf %add3A_403, %get3A_432 : vector<16xf32>
        %get3A_434 = arith.constant 1 : i32
        %get3A_435 = arith.index_cast %get3A_434 : i32 to index
        %get3A_436 = arith.index_cast %add3A_419 : i32 to index
        %get3A_437 = arith.constant 32 : index
        %get3A_438 = tpu.vector_load %arg6[%get3A_435, %get3A_436, %get3A_437] {strides = array<i32>} : memref<2x200x64xf32, #tpu.memory_space<vmem>>, vector<1x1x16xf32>,
        %get3A_439 = vector.shape_cast %get3A_438 : vector<1x1x16xf32> to vector<16xf32>
        %add3A_440 = arith.addf %add3A_410, %get3A_439 : vector<16xf32>
        %get3A_441 = arith.constant 1 : i32
        %get3A_442 = arith.index_cast %get3A_441 : i32 to index
        %get3A_443 = arith.index_cast %add3A_419 : i32 to index
        %get3A_444 = arith.constant 48 : index
        %get3A_445 = tpu.vector_load %arg6[%get3A_442, %get3A_443, %get3A_444] {strides = array<i32>} : memref<2x200x64xf32, #tpu.memory_space<vmem>>, vector<1x1x16xf32>,
        %get3A_446 = vector.shape_cast %get3A_445 : vector<1x1x16xf32> to vector<16xf32>
        %add3A_447 = arith.addf %add3A_417, %get3A_446 : vector<16xf32>
        %add3A_448 = arith.constant 7 : i32
        %add3A_449 = arith.addi %mul3A_238, %add3A_448 : i32
        %get3A_450 = arith.constant 1 : i32
        %get3A_451 = arith.index_cast %get3A_450 : i32 to index
        %get3A_452 = arith.index_cast %add3A_449 : i32 to index
        %get3A_453 = arith.constant 0 : index
        %get3A_454 = tpu.vector_load %arg6[%get3A_451, %get3A_452, %get3A_453] {strides = array<i32>} : memref<2x200x64xf32, #tpu.memory_space<vmem>>, vector<1x1x16xf32>,
        %get3A_455 = vector.shape_cast %get3A_454 : vector<1x1x16xf32> to vector<16xf32>
        %add3A_456 = arith.addf %add3A_426, %get3A_455 : vector<16xf32>
        %get3A_457 = arith.constant 1 : i32
        %get3A_458 = arith.index_cast %get3A_457 : i32 to index
        %get3A_459 = arith.index_cast %add3A_449 : i32 to index
        %get3A_460 = arith.constant 16 : index
        %get3A_461 = tpu.vector_load %arg6[%get3A_458, %get3A_459, %get3A_460] {strides = array<i32>} : memref<2x200x64xf32, #tpu.memory_space<vmem>>, vector<1x1x16xf32>,
        %get3A_462 = vector.shape_cast %get3A_461 : vector<1x1x16xf32> to vector<16xf32>
        %add3A_463 = arith.addf %add3A_433, %get3A_462 : vector<16xf32>
        %get3A_464 = arith.constant 1 : i32
        %get3A_465 = arith.index_cast %get3A_464 : i32 to index
        %get3A_466 = arith.index_cast %add3A_449 : i32 to index
        %get3A_467 = arith.constant 32 : index
        %get3A_468 = tpu.vector_load %arg6[%get3A_465, %get3A_466, %get3A_467] {strides = array<i32>} : memref<2x200x64xf32, #tpu.memory_space<vmem>>, vector<1x1x16xf32>,
        %get3A_469 = vector.shape_cast %get3A_468 : vector<1x1x16xf32> to vector<16xf32>
        %add3A_470 = arith.addf %add3A_440, %get3A_469 : vector<16xf32>
        %get3A_471 = arith.constant 1 : i32
        %get3A_472 = arith.index_cast %get3A_471 : i32 to index
        %get3A_473 = arith.index_cast %add3A_449 : i32 to index
        %get3A_474 = arith.constant 48 : index
        %get3A_475 = tpu.vector_load %arg6[%get3A_472, %get3A_473, %get3A_474] {strides = array<i32>} : memref<2x200x64xf32, #tpu.memory_space<vmem>>, vector<1x1x16xf32>,
        %get3A_476 = vector.shape_cast %get3A_475 : vector<1x1x16xf32> to vector<16xf32>
        %add3A_477 = arith.addf %add3A_447, %get3A_476 : vector<16xf32>
        scf.yield %add3A_456, %add3A_463, %add3A_470, %add3A_477 : vector<16xf32>, vector<16xf32>, vector<16xf32>, vector<16xf32>
      }
      %scan3A_192 = arith.constant 25 : i32
      %mul3A_193 = arith.constant 5.000000e-03 : f32
      %mul3A_194 = vector.broadcast %mul3A_193 : f32 to vector<16xf32>
      %mul3A_195 = arith.mulf %scan3A_191#0, %mul3A_194 : vector<16xf32>
      %swap3A_196 = arith.index_cast %add3A_150 : i32 to index
      %swap3A_197 = arith.constant 0 : index
      %swap3A_198 = tpu.vector_load %arg7[%swap3A_196, %swap3A_197] {strides = array<i32>} : memref<128x64xf32, #tpu.memory_space<vmem>>, vector<1x16xf32>,
      %swap3A_199 = vector.shape_cast %swap3A_198 : vector<1x16xf32> to vector<16xf32>
      %swap3A_200 = vector.shape_cast %mul3A_195 : vector<16xf32> to vector<1x16xf32>
      tpu.vector_store %arg7[%swap3A_196, %swap3A_197], %swap3A_200 {strides = array<i32>} : memref<128x64xf32, #tpu.memory_space<vmem>>, vector<1x16xf32>,
      %mul3A_201 = arith.constant 5.000000e-03 : f32
      %mul3A_202 = vector.broadcast %mul3A_201 : f32 to vector<16xf32>
      %mul3A_203 = arith.mulf %scan3A_191#1, %mul3A_202 : vector<16xf32>
      %swap3A_204 = arith.index_cast %add3A_150 : i32 to index
      %swap3A_205 = arith.constant 16 : index
      %swap3A_206 = tpu.vector_load %arg7[%swap3A_204, %swap3A_205] {strides = array<i32>} : memref<128x64xf32, #tpu.memory_space<vmem>>, vector<1x16xf32>,
      %swap3A_207 = vector.shape_cast %swap3A_206 : vector<1x16xf32> to vector<16xf32>
      %swap3A_208 = vector.shape_cast %mul3A_203 : vector<16xf32> to vector<1x16xf32>
      tpu.vector_store %arg7[%swap3A_204, %swap3A_205], %swap3A_208 {strides = array<i32>} : memref<128x64xf32, #tpu.memory_space<vmem>>, vector<1x16xf32>,
      %mul3A_209 = arith.constant 5.000000e-03 : f32
      %mul3A_210 = vector.broadcast %mul3A_209 : f32 to vector<16xf32>
      %mul3A_211 = arith.mulf %scan3A_191#2, %mul3A_210 : vector<16xf32>
      %swap3A_212 = arith.index_cast %add3A_150 : i32 to index
      %swap3A_213 = arith.constant 32 : index
      %swap3A_214 = tpu.vector_load %arg7[%swap3A_212, %swap3A_213] {strides = array<i32>} : memref<128x64xf32, #tpu.memory_space<vmem>>, vector<1x16xf32>,
      %swap3A_215 = vector.shape_cast %swap3A_214 : vector<1x16xf32> to vector<16xf32>
      %swap3A_216 = vector.shape_cast %mul3A_211 : vector<16xf32> to vector<1x16xf32>
      tpu.vector_store %arg7[%swap3A_212, %swap3A_213], %swap3A_216 {strides = array<i32>} : memref<128x64xf32, #tpu.memory_space<vmem>>, vector<1x16xf32>,
      %mul3A_217 = arith.constant 5.000000e-03 : f32
      %mul3A_218 = vector.broadcast %mul3A_217 : f32 to vector<16xf32>
      %mul3A_219 = arith.mulf %scan3A_191#3, %mul3A_218 : vector<16xf32>
      %swap3A_220 = arith.index_cast %add3A_150 : i32 to index
      %swap3A_221 = arith.constant 48 : index
      %swap3A_222 = tpu.vector_load %arg7[%swap3A_220, %swap3A_221] {strides = array<i32>} : memref<128x64xf32, #tpu.memory_space<vmem>>, vector<1x16xf32>,
      %swap3A_223 = vector.shape_cast %swap3A_222 : vector<1x16xf32> to vector<16xf32>
      %swap3A_224 = vector.shape_cast %mul3A_219 : vector<16xf32> to vector<1x16xf32>
      tpu.vector_store %arg7[%swap3A_220, %swap3A_221], %swap3A_224 {strides = array<i32>} : memref<128x64xf32, #tpu.memory_space<vmem>>, vector<1x16xf32>,
      %add3A_225 = arith.constant 2 : i32
      %add3A_226 = arith.addi %add3A_150, %add3A_225 : i32
      %lt3A_227 = arith.constant 128 : i32
      %lt3A_228 = arith.cmpi slt, %add3A_226, %lt3A_227 : i32
      %convert_element_type3A_229 = arith.extui %lt3A_228 : i1 to i32
      %cond3A_230 = arith.constant 0 : i32
      %cond3A_231 = arith.cmpi ne, %convert_element_type3A_229, %cond3A_230 : i32
      scf.if %cond3A_231 {
        %add3A_232 = arith.constant 2 : i32
        %add3A_233 = arith.addi %add3A_150, %add3A_232 : i32
        %dma_start3A_234 = arith.constant 1 : i32
        %dma_start3A_235 = arith.constant 0 : i32
        %dma_start3A_236 = arith.constant 0 : i32
        %dma_start3A_237 = tpu.memref_slice %arg6[%dma_start3A_234, %dma_start3A_235, %dma_start3A_236] : memref<2x200x64xf32, #tpu.memory_space<vmem>> -> memref<1x200x64xf32, #tpu.memory_space<vmem>>
        %dma_start3A_238 = tpu.memref_squeeze %dma_start3A_237 : memref<1x200x64xf32, #tpu.memory_space<vmem>> -> memref<200x64xf32, #tpu.memory_space<vmem>>
        %dma_start3A_239 = arith.constant 0 : i32
        %dma_start3A_240 = arith.constant 0 : i32
        %dma_start3A_241 = tpu.memref_slice %dma_start3A_238[%dma_start3A_239, %dma_start3A_240] : memref<200x64xf32, #tpu.memory_space<vmem>> -> memref<128x64xf32, #tpu.memory_space<vmem>>
        %dma_start3A_242 = arith.constant 0 : i32
        %dma_start3A_243 = tpu.memref_slice %arg5[%add3A_233, %dma_start3A_242] : memref<128x200xi32, #tpu.memory_space<vmem>> -> memref<1x128xi32, #tpu.memory_space<vmem>>
        %dma_start3A_244 = tpu.memref_squeeze %dma_start3A_243 : memref<1x128xi32, #tpu.memory_space<vmem>> -> memref<128xi32, #tpu.memory_space<vmem>>
        %dma_start3A_245 = arith.constant 0 : i32
        %dma_start3A_246 = arith.constant 0 : i32
        %dma_start3A_247 = tpu.memref_slice %arg3[%dma_start3A_245, %dma_start3A_246] : memref<1000000x64xf32, #tpu.memory_space<hbm>> -> memref<1000000x64xf32, #tpu.memory_space<hbm>>
        tpu.enqueue_indirect_dma source(%dma_start3A_247 : memref<1000000x64xf32, #tpu.memory_space<hbm>>) target(%dma_start3A_241 : memref<128x64xf32, #tpu.memory_space<vmem>>) offsets(%dma_start3A_244 : memref<128xi32, #tpu.memory_space<vmem>>) semaphore(%arg9 : memref<!tpu.dma_semaphore, #tpu.memory_space<semaphore_mem>>)
        %dma_start3A_248 = arith.constant 1 : i32
        %dma_start3A_249 = arith.constant 0 : i32
        %dma_start3A_250 = arith.constant 0 : i32
        %dma_start3A_251 = tpu.memref_slice %arg6[%dma_start3A_248, %dma_start3A_249, %dma_start3A_250] : memref<2x200x64xf32, #tpu.memory_space<vmem>> -> memref<1x200x64xf32, #tpu.memory_space<vmem>>
        %dma_start3A_252 = tpu.memref_squeeze %dma_start3A_251 : memref<1x200x64xf32, #tpu.memory_space<vmem>> -> memref<200x64xf32, #tpu.memory_space<vmem>>
        %dma_start3A_253 = arith.constant 128 : i32
        %dma_start3A_254 = arith.constant 0 : i32
        %dma_start3A_255 = tpu.memref_slice %dma_start3A_252[%dma_start3A_253, %dma_start3A_254] : memref<200x64xf32, #tpu.memory_space<vmem>> -> memref<72x64xf32, #tpu.memory_space<vmem>>
        %dma_start3A_256 = arith.constant 128 : i32
        %dma_start3A_257 = tpu.memref_slice %arg5[%add3A_233, %dma_start3A_256] : memref<128x200xi32, #tpu.memory_space<vmem>> -> memref<1x72xi32, #tpu.memory_space<vmem>>
        %dma_start3A_258 = tpu.memref_squeeze %dma_start3A_257 : memref<1x72xi32, #tpu.memory_space<vmem>> -> memref<72xi32, #tpu.memory_space<vmem>>
        %dma_start3A_259 = arith.constant 0 : i32
        %dma_start3A_260 = arith.constant 0 : i32
        %dma_start3A_261 = tpu.memref_slice %arg3[%dma_start3A_259, %dma_start3A_260] : memref<1000000x64xf32, #tpu.memory_space<hbm>> -> memref<1000000x64xf32, #tpu.memory_space<hbm>>
        tpu.enqueue_indirect_dma source(%dma_start3A_261 : memref<1000000x64xf32, #tpu.memory_space<hbm>>) target(%dma_start3A_255 : memref<72x64xf32, #tpu.memory_space<vmem>>) offsets(%dma_start3A_258 : memref<72xi32, #tpu.memory_space<vmem>>) semaphore(%arg9 : memref<!tpu.dma_semaphore, #tpu.memory_space<semaphore_mem>>)
      } else {
      }
    }
    %scan3A_66 = arith.constant 64 : i32
    "tpu.region"() ({
      %run_scoped3A = tpu.sem_alloc : memref<!tpu.dma_semaphore, #tpu.memory_space<semaphore_mem>>
      %dma_start3A_67 = arith.constant 0 : i32
      %dma_start3A_68 = tpu.memref_slice %arg4[%mul3A_2, %dma_start3A_67] : memref<4096x64xf32, #tpu.memory_space<hbm>> -> memref<128x64xf32, #tpu.memory_space<hbm>>
      %dma_start3A_69 = arith.constant 0 : i32
      %dma_start3A_70 = tpu.memref_slice %arg4[%mul3A_2, %dma_start3A_69] : memref<4096x64xf32, #tpu.memory_space<hbm>> -> memref<128x64xf32, #tpu.memory_space<hbm>>
      tpu.enqueue_dma source(%arg7 : memref<128x64xf32, #tpu.memory_space<vmem>>) target(%dma_start3A_70 : memref<128x64xf32, #tpu.memory_space<hbm>>) target_semaphore(%run_scoped3A : memref<!tpu.dma_semaphore, #tpu.memory_space<semaphore_mem>>)
      %dma_wait3A = arith.constant 0 : i32
      %dma_wait3A_71 = tpu.memref_slice %arg4[%mul3A_2, %dma_wait3A] : memref<4096x64xf32, #tpu.memory_space<hbm>> -> memref<128x64xf32, #tpu.memory_space<hbm>>
      %dma_wait3A_72 = arith.constant 0 : i32
      %dma_wait3A_73 = tpu.memref_slice %arg4[%mul3A_2, %dma_wait3A_72] : memref<4096x64xf32, #tpu.memory_space<hbm>> -> memref<128x64xf32, #tpu.memory_space<hbm>>
      tpu.wait_dma2 semaphore(%run_scoped3A : memref<!tpu.dma_semaphore, #tpu.memory_space<semaphore_mem>>) src(%arg7 : memref<128x64xf32, #tpu.memory_space<vmem>>) dst(%dma_wait3A_73 : memref<128x64xf32, #tpu.memory_space<hbm>>)
      tpu.yield
    }) : () -> ()
    return
  }
}

module attributes {stable_mosaic.version = 14 : i64} {
  func.func @body(%arg0: i32, %arg1: memref<1024x64xf32, #tpu.memory_space<vmem>>, %arg2: memref<512x64xf32, #tpu.memory_space<vmem>>, %arg3: memref<1x512xf32, #tpu.memory_space<vmem>>, %arg4: memref<256x512xf32, #tpu.memory_space<vmem>>, %arg5: memref<1x256xf32, #tpu.memory_space<vmem>>, %arg6: memref<2x256xf32, #tpu.memory_space<vmem>>, %arg7: memref<1x2xf32, #tpu.memory_space<vmem>>, %arg8: memref<1024x2xf32, #tpu.memory_space<vmem>>) attributes {dimension_semantics = [#tpu.dimension_semantics<arbitrary>], iteration_bounds = array<i64: 4>, scalar_prefetch = 0 : i64, scratch_operands = 0 : i64, tpu.core_type = #tpu.core_type<tc>, window_params = [{transform_indices = @transform_0, window_bounds = array<i64: 1024, 64>}, {pipeline_mode = #tpu.pipeline_mode<synchronous>, transform_indices = @transform_1, window_bounds = array<i64: 512, 64>}, {pipeline_mode = #tpu.pipeline_mode<synchronous>, transform_indices = @transform_2, window_bounds = array<i64: 1, 512>}, {pipeline_mode = #tpu.pipeline_mode<synchronous>, transform_indices = @transform_3, window_bounds = array<i64: 256, 512>}, {pipeline_mode = #tpu.pipeline_mode<synchronous>, transform_indices = @transform_4, window_bounds = array<i64: 1, 256>}, {pipeline_mode = #tpu.pipeline_mode<synchronous>, transform_indices = @transform_5, window_bounds = array<i64: 2, 256>}, {pipeline_mode = #tpu.pipeline_mode<synchronous>, transform_indices = @transform_6, window_bounds = array<i64: 1, 2>}, {transform_indices = @transform_7, window_bounds = array<i64: 1024, 2>}]} {
    %get3A = arith.constant 0 : index
    %get3A_0 = arith.constant 0 : index
    %get3A_1 = vector.load %arg1[%get3A, %get3A_0] : memref<1024x64xf32, #tpu.memory_space<vmem>>, vector<1024x64xf32>
    %get3A_2 = arith.constant 0 : index
    %get3A_3 = arith.constant 0 : index
    %get3A_4 = vector.load %arg2[%get3A_2, %get3A_3] : memref<512x64xf32, #tpu.memory_space<vmem>>, vector<512x64xf32>
    %dot_general3A = arith.constant dense<0.000000e+00> : vector<1024x512xf32>
    %dot_general3A_5 = tpu.matmul %get3A_1, %get3A_4, %dot_general3A {dimension_numbers = #tpu.dot_dimension_numbers<[1], [1], [0], [0], [0, 0, 1, 0], [], []>, transpose_lhs_hint = false} : vector<1024x64xf32>, vector<512x64xf32>, vector<1024x512xf32> -> vector<1024x512xf32>
    %get3A_6 = arith.constant 0 : index
    %get3A_7 = arith.constant 0 : index
    %get3A_8 = vector.load %arg3[%get3A_6, %get3A_7] : memref<1x512xf32, #tpu.memory_space<vmem>>, vector<1x512xf32>
    %add3A = vector.broadcast %get3A_8 : vector<1x512xf32> to vector<1024x512xf32>
    %add3A_9 = arith.addf %dot_general3A_5, %add3A : vector<1024x512xf32>
    %max3A = arith.constant 0.000000e+00 : f32
    %max3A_10 = vector.broadcast %max3A : f32 to vector<1024x512xf32>
    %max3A_11 = arith.maximumf %add3A_9, %max3A_10 : vector<1024x512xf32>
    %get3A_12 = arith.constant 0 : index
    %get3A_13 = arith.constant 0 : index
    %get3A_14 = vector.load %arg4[%get3A_12, %get3A_13] : memref<256x512xf32, #tpu.memory_space<vmem>>, vector<256x512xf32>
    %dot_general3A_15 = arith.constant dense<0.000000e+00> : vector<1024x256xf32>
    %dot_general3A_16 = tpu.matmul %max3A_11, %get3A_14, %dot_general3A_15 {dimension_numbers = #tpu.dot_dimension_numbers<[1], [1], [0], [0], [0, 0, 1, 0], [], []>, transpose_lhs_hint = false} : vector<1024x512xf32>, vector<256x512xf32>, vector<1024x256xf32> -> vector<1024x256xf32>
    %get3A_17 = arith.constant 0 : index
    %get3A_18 = arith.constant 0 : index
    %get3A_19 = vector.load %arg5[%get3A_17, %get3A_18] : memref<1x256xf32, #tpu.memory_space<vmem>>, vector<1x256xf32>
    %add3A_20 = vector.broadcast %get3A_19 : vector<1x256xf32> to vector<1024x256xf32>
    %add3A_21 = arith.addf %dot_general3A_16, %add3A_20 : vector<1024x256xf32>
    %max3A_22 = arith.constant 0.000000e+00 : f32
    %max3A_23 = vector.broadcast %max3A_22 : f32 to vector<1024x256xf32>
    %max3A_24 = arith.maximumf %add3A_21, %max3A_23 : vector<1024x256xf32>
    %get3A_25 = arith.constant 0 : index
    %get3A_26 = arith.constant 0 : index
    %get3A_27 = vector.load %arg6[%get3A_25, %get3A_26] : memref<2x256xf32, #tpu.memory_space<vmem>>, vector<2x256xf32>
    %dot_general3A_28 = arith.constant dense<0.000000e+00> : vector<1024x2xf32>
    %dot_general3A_29 = tpu.matmul %max3A_24, %get3A_27, %dot_general3A_28 {dimension_numbers = #tpu.dot_dimension_numbers<[1], [1], [0], [0], [0, 0, 1, 0], [], []>, transpose_lhs_hint = false} : vector<1024x256xf32>, vector<2x256xf32>, vector<1024x2xf32> -> vector<1024x2xf32>
    %get3A_30 = arith.constant 0 : index
    %get3A_31 = arith.constant 0 : index
    %get3A_32 = vector.load %arg7[%get3A_30, %get3A_31] : memref<1x2xf32, #tpu.memory_space<vmem>>, vector<1x2xf32>
    %add3A_33 = vector.broadcast %get3A_32 : vector<1x2xf32> to vector<1024x2xf32>
    %add3A_34 = arith.addf %dot_general3A_29, %add3A_33 : vector<1024x2xf32>
    %swap3A = arith.constant 0 : index
    %swap3A_35 = arith.constant 0 : index
    %swap3A_36 = vector.load %arg8[%swap3A, %swap3A_35] : memref<1024x2xf32, #tpu.memory_space<vmem>>, vector<1024x2xf32>
    tpu.vector_store %arg8[%swap3A, %swap3A_35], %add3A_34 {strides = array<i32>} : memref<1024x2xf32, #tpu.memory_space<vmem>>, vector<1024x2xf32>,
    return
  }
  func.func @transform_0(%arg0: i32) -> (i32, i32) {
    %c0_i32 = arith.constant 0 : i32
    %c0_i32_0 = arith.constant 0 : i32
    return %arg0, %c0_i32 : i32, i32
  }
  func.func @transform_1(%arg0: i32) -> (i32, i32) {
    %c0_i32 = arith.constant 0 : i32
    %c0_i32_0 = arith.constant 0 : i32
    %c0_i32_1 = arith.constant 0 : i32
    return %c0_i32, %c0_i32_0 : i32, i32
  }
  func.func @transform_2(%arg0: i32) -> (i32, i32) {
    %c0_i32 = arith.constant 0 : i32
    %c0_i32_0 = arith.constant 0 : i32
    %c0_i32_1 = arith.constant 0 : i32
    return %c0_i32, %c0_i32_0 : i32, i32
  }
  func.func @transform_3(%arg0: i32) -> (i32, i32) {
    %c0_i32 = arith.constant 0 : i32
    %c0_i32_0 = arith.constant 0 : i32
    %c0_i32_1 = arith.constant 0 : i32
    return %c0_i32, %c0_i32_0 : i32, i32
  }
  func.func @transform_4(%arg0: i32) -> (i32, i32) {
    %c0_i32 = arith.constant 0 : i32
    %c0_i32_0 = arith.constant 0 : i32
    %c0_i32_1 = arith.constant 0 : i32
    return %c0_i32, %c0_i32_0 : i32, i32
  }
  func.func @transform_5(%arg0: i32) -> (i32, i32) {
    %c0_i32 = arith.constant 0 : i32
    %c0_i32_0 = arith.constant 0 : i32
    %c0_i32_1 = arith.constant 0 : i32
    return %c0_i32, %c0_i32_0 : i32, i32
  }
  func.func @transform_6(%arg0: i32) -> (i32, i32) {
    %c0_i32 = arith.constant 0 : i32
    %c0_i32_0 = arith.constant 0 : i32
    %c0_i32_1 = arith.constant 0 : i32
    return %c0_i32, %c0_i32_0 : i32, i32
  }
  func.func @transform_7(%arg0: i32) -> (i32, i32) {
    %c0_i32 = arith.constant 0 : i32
    %c0_i32_0 = arith.constant 0 : i32
    return %arg0, %c0_i32 : i32, i32
  }
}

</mosaic_0001>

<sc_bundles>
// kernel: kernel.4.cloned.1.call-start
scs
__scs_entry_jumppad:
0x0: {  	(pc) =	sbr.rel $0x88, $3  }
0x1: {  	(tag) =	ssettag $0x0;
	lr =	simm.s32 $0x1  }
0x2: {  	[smem:$0x3F99] =	sst lr;
	_ =	strace $0xD0000000  }
0x3: {  	_ = 	snop  }
0x4: {  	_ = 	snop  }
0x5: {  	_ = 	snop  }
0x6: {  	_ = 	snop  }
0x7: {  	_ = 	snop  }
__scs_overlays_trampoline_lowered:
0x8: {  	[smem:$0x3FA8] =	sst s0  }
0x9: {  	[smem:$0x3FA9] =	sst s1  }
0xa: {  	[smem:$0x3FAA] =	sst s2  }
0xb: {  	[smem:$0x3FAB] =	sst s3  }
0xc: {  	[smem:$0x3FAC] =	sst s4  }
0xd: {  	[smem:$0x3FAD] =	sst s5  }
0xe: {  	[smem:$0x3FAE] =	sst s6  }
0xf: {  	[smem:$0x3FAF] =	sst s7  }
0x10: {  	[smem:$0x3FB0] =	sst s8  }
0x11: {  	[smem:$0x3FB1] =	sst s9;
	s0 =	simm.s32 @!p0 $0x0  }
0x12: {  	s1 =	sld [smem:$0x3F97];
	s0 =	simm.s32 @p0 $0x1  }
0x13: {  	[smem:$0x3FB2] =	sst s0;
	s0 =	simm.s32 @!p1 $0x0  }
0x14: {  	s2 =	sld [smem:$0x3F96];
	s0 =	simm.s32 @p1 $0x1  }
0x15: {  	[smem:$0x3FB3] =	sst s0;
	s0 =	simm.s32 @!p2 $0x0  }
0x16: {  	s3 =	sld [smem:$0x3FDB];
	s0 =	simm.s32 @p2 $0x1  }
0x17: {  	s4 =	simm.s32 $0x1BF5;
	[smem:$0x3FB5] =	sst s0  }
0x18: {  	s0 =	sld [smem:$0x3F98];
	_ =	swait.ge [sflag:s4], $0x0  }
0x19: {  	s7 =	sld [smem:$0x3F99]  }
0x1a: {  	s8 =	sadd.s32 $0xFFFFE003, lr  }
0x1b: {  	s9 =	sadd.s32 $0xFFFFFEF7, lr;
	s5 =	simm.s32 $0xFFFFFFFF;
	p2 =	slt.u32 s8, $0xFFFFF086  }
0x1c: {  	p1 =	slt.u32 s9, $0xF7A;
	s5 =	simm.s32 @!p2 $0x0  }
0x1d: {  	s5 =	simm.s32 @p1 $0x1;
	p0 =	seq.s32 s7, s2  }
0x1e: {  	s7 =	smul.u32 @!p0 $0xF7A, s2;
	p2 =	seq.s32 @!p0 s5, $0x0  }
0x1f: {  	s9 =	smul.u32 $0xF7A, s1;
	s8 =	simm.s32 @!p0 $0x1BF5;
	p2 =	por !p2, p0  }
0x20: {  	[sflag:s8] =	ssyncset.s32 @!p0 $0xFFFFF086;
	s6 =	sadd.s32 @!p0 s3, s7;
	s7 =	simm.s32 @!p0 $0x108  }
0x21: {  	s3 =	sadd.s32 s3, s9;
	s6 =	sadd.s32 @!p0 $0x88, s6;
	s7 =	simm.s32 @p2 $0x1082  }
0x22: {  	[simem:s7], [sflag:s8] =	dma.local @!p0 [hbm:s6], $0xF7A  }
0x23: {  	s9 =	sor.u32 $0xD0000000, s2;
	s6 =	simm.s32 $0x108;
	_ =	swait.ge @!p0 [sflag:s8], $0x0  }
0x24: {  	s3 =	sadd.s32 $0x88, s3;
	s6 =	simm.s32 @!p1 $0x1082;
	[sflag:s4] =	ssyncset.s32 $0xFFFFF086  }
0x25: {  	[simem:s6], [sflag:s4] =	dma.local [hbm:s3], $0xF7A  }
0x26: {  	[smem:$0x3F99] =	sst s1;
	(tag) =	ssettag s2;
	_ =	strace s9  }
0x27: {  	s1 =	sld [smem:$0x3FA9]  }
0x28: {  	s2 =	sld [smem:$0x3FAA]  }
0x29: {  	s4 =	sld [smem:$0x3FAC]  }
0x2a: {  	p0 =	seq.s32 s5, $0x0;
	s5 =	sld [smem:$0x3FAD]  }
0x2b: {  	s6 =	sld [smem:$0x3FAE]  }
0x2c: {  	s7 =	sld [smem:$0x3FAF]  }
0x2d: {  	s3 =	simm.s32 $0x108;
	s8 =	sld [smem:$0x3FB0]  }
0x2e: {  	s3 =	simm.s32 @!p0 $0x1082;
	s9 =	sld [smem:$0x3FB1]  }
0x2f: {  	lr =	sadd.s32 s0, s3;
	s0 =	sld [smem:$0x3FA8]  }
0x30: {  	s3 =	sld [smem:$0x3FAB]  }
0x31: {  	[smem:$0x3FB4] =	sst s10  }
0x32: {  	s10 =	sld [smem:$0x3FB2];
	_ =	sdelay $0x3  }
0x33: {  	p0 =	seq.s32 s10, $0x1;
	s10 =	sld [smem:$0x3FB4];
	_ =	sdelay $0x3  }
0x34: {  	[smem:$0x3FB4] =	sst s10  }
0x35: {  	s10 =	sld [smem:$0x3FB3];
	_ =	sdelay $0x3  }
0x36: {  	p1 =	seq.s32 s10, $0x1;
	s10 =	sld [smem:$0x3FB4];
	_ =	sdelay $0x3  }
0x37: {  	[smem:$0x3FB4] =	sst s10  }
0x38: {  	s10 =	sld [smem:$0x3FB5]  }
0x39: {  	_ = 	snop;
	(pc) =	sbr.ind lr, $3  }
0x3a: {  	_ = 	snop  }
0x3b: {  	_ = 	snop  }
0x3c: {  	p2 =	seq.s32 s10, $0x1;
	s10 =	sld [smem:$0x3FB4]  }
0x3d: {  	_ =	shalt  }
0x3e: {  	_ =	shalt  }
0x3f: {  	_ =	shalt  }
0x40: {  	_ =	shalt  }
0x41: {  	_ =	shalt  }
0x42: {  	_ =	shalt  }
0x43: {  	_ =	shalt  }
0x44: {  	_ =	shalt  }
0x45: {  	_ =	shalt  }
0x46: {  	_ =	shalt  }
0x47: {  	_ =	shalt  }
0x48: {  	_ =	shalt  }
0x49: {  	_ =	shalt  }
0x4a: {  	_ =	shalt  }
0x4b: {  	_ =	shalt  }
0x4c: {  	_ =	shalt  }
0x4d: {  	_ =	shalt  }
0x4e: {  	_ =	shalt  }
0x4f: {  	_ =	shalt  }
0x50: {  	_ =	shalt  }
0x51: {  	_ =	shalt  }
0x52: {  	_ =	shalt  }
0x53: {  	_ =	shalt  }
0x54: {  	_ =	shalt  }
0x55: {  	_ =	shalt  }
0x56: {  	_ =	shalt  }
0x57: {  	_ =	shalt  }
0x58: {  	_ =	shalt  }
0x59: {  	_ =	shalt  }
0x5a: {  	_ =	shalt  }
0x5b: {  	_ =	shalt  }
0x5c: {  	_ =	shalt  }
0x5d: {  	_ =	shalt  }
0x5e: {  	_ =	shalt  }
0x5f: {  	_ =	shalt  }
0x60: {  	_ =	shalt  }
0x61: {  	_ =	shalt  }
0x62: {  	_ =	shalt  }
0x63: {  	_ =	shalt  }
0x64: {  	_ =	shalt  }
0x65: {  	_ =	shalt  }
0x66: {  	_ =	shalt  }
0x67: {  	_ =	shalt  }
0x68: {  	_ =	shalt  }
0x69: {  	_ =	shalt  }
0x6a: {  	_ =	shalt  }
0x6b: {  	_ =	shalt  }
0x6c: {  	_ =	shalt  }
0x6d: {  	_ =	shalt  }
0x6e: {  	_ =	shalt  }
0x6f: {  	_ =	shalt  }
0x70: {  	_ =	shalt  }
0x71: {  	_ =	shalt  }
0x72: {  	_ =	shalt  }
0x73: {  	_ =	shalt  }
0x74: {  	_ =	shalt  }
0x75: {  	_ =	shalt  }
0x76: {  	_ =	shalt  }
0x77: {  	_ =	shalt  }
0x78: {  	_ =	shalt  }
0x79: {  	_ =	shalt  }
0x7a: {  	_ =	shalt  }
0x7b: {  	_ =	shalt  }
0x7c: {  	_ =	shalt  }
0x7d: {  	_ =	shalt  }
0x7e: {  	_ =	shalt  }
0x7f: {  	_ =	shalt  }
0x80: {  	_ =	shalt  }
0x81: {  	_ =	shalt  }
0x82: {  	_ =	shalt  }
0x83: {  	_ =	shalt  }
0x84: {  	_ =	shalt  }
0x85: {  	_ =	shalt  }
0x86: {  	_ =	shalt  }
0x87: {  	_ =	shalt  }
.Lfunc_end0:
.L_simem_size_0:
called_computation_lowered:
.L_overlay_start_0:
0x88: {  	s2 =	sld [smem:$0x3FD9]  }
0x89: {  	s3 =	sld [smem:$0x3FFE];
	_ =	sdelay $0x1  }
0x8a: {  	s1 =	srdreg.scid  }
0x8b: {  	s0 =	sand.u32 $0x1, s1  }
0x8c: {  	s16 =	sshll.u32 s0, $0xA;
	s2 =	sadd.s32 s3, s2  }
0x8d: {  	s2 =	sadd.s32 s2, s16  }
0x8e: {  	[smem:$0x3FC0] =	sst s2  }
0x8f: {  	_ = 	snop  }
0x90: {  	(tm) =	ssettm $0x1  }
0x91: {  	s17 =	sld [smem:$0x3FFB];
	_ =	sdelay $0x3  }
0x92: {  	_ =	strace s17  }
0x93: {  	s2 =	sld [smem:$0x3FFC];
	_ =	sdelay $0x3  }
0x94: {  	_ =	strace s2  }
0x95: {  	s2 =	sld [smem:$0x3FFD];
	_ =	sdelay $0x3  }
0x96: {  	_ =	strace s2  }
0x97: {  	_ =	strace $0x8FFFFFFF  }
0x98: {  	s18 =	sld [smem:$0x3FDB];
	_ =	sdelay $0x1  }
0x99: {  	s19 =	simm.s32 $_scs_section_size  }
0x9a: {  	s4 =	simm.s32 $_size__tile_overlayer_lowered;
	s5 =	simm.s32 $_tile_overlayer_lowered  }
0x9b: {  	s22 =	simm.s32 $0x1BFF;
	s21 =	sshll.u32 s5, $0x1;
	s2 =	sadd.s32 s19, s18  }
0x9c: {  	s6 =	simm.s32 $0x0;
	s20 =	sshll.u32 s4, $0x1;
	s4 =	sadd.s32 s21, s2  }
0x9d: {  	[timem:s6], [sflag:s22] =	dma.local [hbm:s4], s20  }
0x9e: {  	_ =	swait.ge [sflag:s22], s20  }
0x9f: {  	s3 =	ssub.s32 $0x0, s20;
	[sflag:s22] =	ssyncset.done $0x0  }
0xa0: {  	[sflag:s22] =	ssyncadd.s32 s3;
	_ =	sdelay $0x1  }
0xa1: {  	s23 =	simm.s32 $0x1B8B  }
0xa2: {  	_ =	swait.ge [sflag:s23], $0x1  }
0xa3: {  	[sflag:s23] =	ssyncset.done $0x0  }
0xa4: {  	s25 =	simm.s32 $0x1B8E;
	s24 =	sld [smem:$0x3FFE];
	[sflag:s23] =	ssyncadd.s32 $0xFFFFFFFF  }
0xa5: {  	s26 =	simm.s32 $execute0_lowered;
	[smem:$0x3FD2] =	sst s25  }
0xa6: {  	s4 =	sshll.u32 s26, $0x1;
	_ =	strace $0x80000046;
	[dreg:$0x1] =	wrdreg $0xFFFFFFFF  }
0xa7: {  	s28 =	simm.s32 $_size_execute0_lowered;
	s2 =	sadd.s32 s2, s4;
	[dreg:$0x0] =	wrdreg $0x0  }
0xa8: {  	s4 =	sshll.u32 s28, $0x1;
	[dreg:$0x2] =	wrdreg s2  }
0xa9: {  	[dreg:$0x3] =	wrdreg s4  }
0xaa: {  	[dreg:$0x4] =	wrdreg $0xC0  }
0xab: {  	_ =	task [dreg:s6], $0x5FFFF  }
0xac: {  	[dreg:$0x1] =	wrdreg $0xFFFFFFFF  }
0xad: {  	[dreg:$0x0] =	wrdreg $0x60  }
0xae: {  	[dreg:$0x2] =	wrdreg s24  }
0xaf: {  	[dreg:$0x3] =	wrdreg $0x9  }
0xb0: {  	_ =	task.clear_ibuf [dreg:s6], $0x4FFFF;
	_ =	strace $0x90000046  }
0xb1: {  	s29 =	simm.s32 $0x9;
	_ =	strace $0x80000048  }
0xb2: {  	_ =	swait.ge [sflag:s29], $0x1  }
0xb3: {  	[sflag:s29] =	ssyncadd.s32 $0xFFFFFFFF  }
0xb4: {  	_ =	strace $0x90000048  }
0xb5: {  	_ =	sfence  }
0xb6: {  	s30 =	sld [smem:$0x0];
	_ =	sdelay $0x2  }
0xb7: {  	s31 =	sshll.u32 s1, $0xD;
	s1 =	sshrl.u32 s1, $0x2  }
0xb8: {  	s3 =	sand.u32 $0x4000, s31;
	s1 =	sadd.s32 s1, s30  }
0xb9: {  	s0 =	sor.u32 s3, s0;
	s1 =	sshll.u32 s1, $0x11  }
0xba: {  	s0 =	sor.u32 s1, s0  }
0xbb: {  	s0 =	sadd.s32 $0x8F2B, s0  }
0xbc: {  	[sflag:s0] =	ssyncadd.remote.s32 $0x1  }
0xbd: {  	_ =	sfence.sel $0xFFFF  }
0xbe: {  	[dreg:$0x0] =	wrdreg $0xFFFFFFFF;
	(pc) =	sbr.abs _section_cstart, $3  }
0xbf: {  	[dreg:$0x1] =	wrdreg $0xFFFFFFFF  }
0xc0: {  	_ =	task.clear_ibuf [dreg:s6], $0x2FFFF;
	_ =	strace $0x9FFFFFFF  }
0xc1: {  	(tm) =	ssettm $0x7FFFFFFF  }
tec
execute0_lowered:
.L_overlay_start_1:
0x0: {  	(tag) =	ssettag $0x1  }
0x1: {  	s1 =	srdreg.scid  }
0x2: {  	s0 =	stileid.u32;
	s4 =	rddreg [dreg:$0x0]  }
0x3: {  	s9 =	simm.s32 $0x6400;
	s10 =	simm.s32 $0x48;
	s11 =	simm.s32 $0x8400  }
0x4: {  	s12 =	simm.s32 $0xC8;
	s13 =	simm.s32 $0x9600;
	s14 =	simm.s32 $0x148  }
0x5: {  	s15 =	simm.s32 $0xB600;
	s16 =	simm.s32 $0x1;
	s17 =	simm.s32 $0x2  }
0x6: {  	s18 =	simm.s32 $0xC800;
	s19 =	simm.s32 $0x0;
	s3 =	sand.u32 $0x1, s1  }
0x7: {  	s31 =	sshll.u32 s0, $0x8;
	s1 =	rddreg [dreg:$0x1];
	s2 =	sshll.u32 s3, $0x7  }
0x8: {  	s7 =	ssub.s32 $0x2, s3;
	s3 =	sadd.s32 $0xF43600, s4;
	s5 =	sor.u32 s2, s31  }
.Ltmp0:
0x9: {  	s2 =	simm.s32 $0x0;
	s8 =	sshrl.u32 s7, $0x1;
	(pc) =	sbr.rel .LBB2_1-.Ltmp0, $4  }
0xa: {  	s6 =	smul.u32 $0x19, s5;
	[smem:$0x7FF] =	sst s2;
	s5 =	sshll.u32 s5, $0x3  }
0xb: {  	s7 =	ssub.s32 s7, s8;
	s8 =	simm.s32 $0x80;
	s5 =	sadd.s32 s5, s4  }
0xc: {  	_ =	strace $0x80000047;
	s6 =	sadd.s32 s6, s4;
	s5 =	sadd.s32 $0x1A200, s5  }
0xd: {  	s4 =	sadd.s32 $0x1200, s6;
	s6 =	smax.u32 s7, $0x1;
	s7 =	simm.s32 $0x3  }
.LBB2_8:
0xe: {  	s19 =	sadd.s32 $0x1, s19  }
0xf: {  	p0 =	sne.s32 s19, s6  }
.Ltmp1:
0x10: {  	_ = 	snop;
	(pc) =	sbr.rel @!p0 .LBB2_9-.Ltmp1, $4  }
0x11: {  	[hbm4b:s5+s2] =	stream.linear.scatter [tilespmem:s18], [sflag:$0x3], $0x2000, $0x38;
	[tilespmem:$0xE800] =	vst v63  }
0x12: {  	_ =	swait.ge [sflag:s7], $0x2000  }
0x13: {  	[sflag:s7] =	ssyncset.done $0x0  }
0x14: {  	[sflag:s7] =	ssyncadd.s32 $0xFFFFE000  }
.LBB2_1:
0x15: {  	[tilespmem:s2], [sflag:$0x3] =	stream.linear.gather [hbm4b:s4+s2], $0x6400, $0x38;
	[tilespmem:$0xE800] =	vst v63  }
0x16: {  	_ =	swait.ge [sflag:s7], $0x6400  }
0x17: {  	[sflag:s7] =	ssyncset.done $0x0  }
0x18: {  	[sflag:s7] =	ssyncadd.s32 $0xFFFF9C00  }
0x19: {  	[tilespmem:s9], [sflag:$0x1] =	stream.indirect.gather [hbm4b:s3+s8], $0x40, s2, s8, $0xb8;
	[tilespmem:$0xE800] =	vst v63  }
0x1a: {  	_ = 	snop  }
0x1b: {  	[tilespmem:s11], [sflag:$0x1] =	stream.indirect.gather [hbm4b:s3+s10], $0x40, s8, s10, $0xb8;
	[tilespmem:$0xE800] =	vst v63  }
0x1c: {  	_ = 	snop  }
0x1d: {  	[tilespmem:s13], [sflag:$0x2] =	stream.indirect.gather [hbm4b:s3+s8], $0x40, s12, s8, $0xb8;
	[tilespmem:$0xE800] =	vst v63  }
0x1e: {  	s20 =	simm.s32 $0x0  }
0x1f: {  	[tilespmem:s15], [sflag:$0x2] =	stream.indirect.gather [hbm4b:s3+s10], $0x40, s14, s10, $0xb8;
	[tilespmem:$0xE800] =	vst v63  }
.LBB2_2:
0x20: {  	_ =	swait.ge [sflag:s16], $0x2000  }
0x21: {  	[sflag:s16] =	ssyncset.done $0x0  }
0x22: {  	[sflag:s16] =	ssyncadd.s32 $0xFFFFE000  }
0x23: {  	_ =	swait.ge [sflag:s16], $0x1200  }
0x24: {  	[sflag:s16] =	ssyncset.done $0x0  }
0x25: {  	s21 =	simm.s32 $0x0;
	[sflag:s16] =	ssyncadd.s32 $0xFFFFEE00  }
0x26: {  	v0 =	vld [tilespmem:s21+$0x65C0]  }
0x27: {  	v1 =	vld [tilespmem:s21+$0x65D0]  }
0x28: {  	v2 =	vld [tilespmem:s21+$0x6580]  }
0x29: {  	v3 =	vld [tilespmem:s21+$0x6590]  }
0x2a: {  	v4 =	vld [tilespmem:s21+$0x6540]  }
0x2b: {  	v5 =	vld [tilespmem:s21+$0x6550]  }
0x2c: {  	v6 =	vld [tilespmem:s21+$0x6500]  }
0x2d: {  	v7 =	vld [tilespmem:s21+$0x6510]  }
0x2e: {  	v9 =	vld [tilespmem:s21+$0x64C0]  }
0x2f: {  	v8 =	vld [tilespmem:s21+$0x64D0]  }
0x30: {  	v11 =	vld [tilespmem:s21+$0x6480]  }
0x31: {  	v10 =	vld [tilespmem:s21+$0x6490]  }
0x32: {  	v17 =	vld [tilespmem:s21+$0x6440]  }
0x33: {  	v16 =	vld [tilespmem:s21+$0x6450]  }
0x34: {  	v19 =	vld [tilespmem:s21+$0x6400]  }
0x35: {  	v12 =	vimm.f32 $0.0e+00;
	v20 =	vld [tilespmem:s21+$0x6410]  }
0x36: {  	s22 =	simm.s32 $0x800;
	v15 =	vimm.f32 $0.0e+00;
	v14 =	vimm.f32 $0.0e+00;
	v13 =	vimm.f32 $0.0e+00;
	v18 =	vld [tilespmem:s21+$0x6420]  }
.LBB2_3:
0x37: {  	p0 =	sne.s32 s22, $0xC000;
	v21 =	vld [tilespmem:s21+$0x6430]  }
0x38: {  	v22 =	vld [tilespmem:s21+$0x6460]  }
0x39: {  	v23 =	vld [tilespmem:s21+$0x6470]  }
0x3a: {  	v24 =	vld [tilespmem:s21+$0x64A0]  }
0x3b: {  	v12 =	vadd.f32 v19, v12;
	v15 =	vadd.f32 v20, v15;
	v19 =	vld [tilespmem:s21+$0x64B0]  }
0x3c: {  	v14 =	vadd.f32 v18, v14;
	v13 =	vadd.f32 v21, v13;
	v18 =	vld [tilespmem:s21+$0x64E0]  }
0x3d: {  	v12 =	vadd.f32 v17, v12;
	v15 =	vadd.f32 v16, v15;
	v16 =	vld [tilespmem:s21+$0x64F0]  }
0x3e: {  	v14 =	vadd.f32 v22, v14;
	v13 =	vadd.f32 v23, v13;
	v17 =	vld [tilespmem:s21+$0x6520]  }
0x3f: {  	v11 =	vadd.f32 v11, v12;
	v10 =	vadd.f32 v10, v15;
	v12 =	vld [tilespmem:s21+$0x6530]  }
0x40: {  	v14 =	vadd.f32 v24, v14;
	v13 =	vadd.f32 v19, v13;
	v15 =	vld [tilespmem:s21+$0x6560]  }
0x41: {  	v9 =	vadd.f32 v9, v11;
	v8 =	vadd.f32 v8, v10;
	v10 =	vld [tilespmem:s21+$0x6570]  }
0x42: {  	v11 =	vadd.f32 v18, v14;
	v13 =	vadd.f32 v16, v13;
	v14 =	vld [tilespmem:s21+$0x65A0]  }
0x43: {  	v6 =	vadd.f32 v6, v9;
	v7 =	vadd.f32 v7, v8;
	v8 =	vld [tilespmem:s21+$0x65B0]  }
0x44: {  	v9 =	vadd.f32 v17, v11;
	v11 =	vadd.f32 v12, v13;
	v13 =	vld [tilespmem:s21+$0x65E0]  }
0x45: {  	v4 =	vadd.f32 v4, v6;
	v5 =	vadd.f32 v5, v7;
	v6 =	vld [tilespmem:s21+$0x65F0];
	s21 =	sshra.s32 s22, $0x2  }
0x46: {  	v9 =	vadd.f32 v15, v9;
	v7 =	vld [tilespmem:s21+$0x65C0];
	v10 =	vadd.f32 v10, v11  }
0x47: {  	v4 =	vadd.f32 v2, v4;
	v5 =	vadd.f32 v3, v5;
	v11 =	vld [tilespmem:s21+$0x65D0]  }
0x48: {  	v9 =	vadd.f32 v14, v9;
	v2 =	vld [tilespmem:s21+$0x6580];
	v8 =	vadd.f32 v8, v10  }
0x49: {  	v12 =	vadd.f32 v0, v4;
	v15 =	vadd.f32 v1, v5;
	v3 =	vld [tilespmem:s21+$0x6590]  }
0x4a: {  	v14 =	vadd.f32 v13, v9;
	v4 =	vld [tilespmem:s21+$0x6540];
	v13 =	vadd.f32 v6, v8  }
0x4b: {  	v5 =	vld [tilespmem:s21+$0x6550];
	v0 =	vmov v7  }
0x4c: {  	v6 =	vld [tilespmem:s21+$0x6500];
	v1 =	vmov v11  }
0x4d: {  	v7 =	vld [tilespmem:s21+$0x6510]  }
0x4e: {  	v9 =	vld [tilespmem:s21+$0x64C0]  }
0x4f: {  	v8 =	vld [tilespmem:s21+$0x64D0]  }
0x50: {  	v11 =	vld [tilespmem:s21+$0x6480]  }
0x51: {  	v10 =	vld [tilespmem:s21+$0x6490]  }
.Ltmp2:
0x52: {  	v17 =	vld [tilespmem:s21+$0x6440];
	(pc) =	sbr.rel @p0 .LBB2_3-.Ltmp2, $4  }
0x53: {  	v16 =	vld [tilespmem:s21+$0x6450]  }
0x54: {  	v19 =	vld [tilespmem:s21+$0x6400]  }
0x55: {  	v20 =	vld [tilespmem:s21+$0x6410]  }
0x56: {  	s22 =	sadd.s32 $0x800, s22;
	v18 =	vld [tilespmem:s21+$0x6420]  }
0x57: {  	v21 =	vld [tilespmem:s21+$0x6430]  }
0x58: {  	v22 =	vld [tilespmem:s21+$0x6460]  }
0x59: {  	v23 =	vld [tilespmem:s21+$0x6470];
	v12 =	vadd.f32 v19, v12  }
0x5a: {  	v19 =	vld [tilespmem:s21+$0x64A0];
	v15 =	vadd.f32 v20, v15  }
0x5b: {  	v20 =	vld [tilespmem:s21+$0x64B0];
	v14 =	vadd.f32 v18, v14;
	v12 =	vadd.f32 v17, v12  }
0x5c: {  	v17 =	vld [tilespmem:s21+$0x64E0];
	v13 =	vadd.f32 v21, v13;
	v15 =	vadd.f32 v16, v15  }
0x5d: {  	v16 =	vld [tilespmem:s21+$0x64F0];
	v14 =	vadd.f32 v22, v14;
	v11 =	vadd.f32 v11, v12  }
0x5e: {  	v12 =	vadd.f32 v23, v13;
	v13 =	vld [tilespmem:s21+$0x6520];
	v10 =	vadd.f32 v10, v15  }
0x5f: {  	v15 =	vld [tilespmem:s21+$0x6530];
	v14 =	vadd.f32 v19, v14;
	v9 =	vadd.f32 v9, v11  }
0x60: {  	v11 =	vadd.f32 v20, v12;
	v12 =	vld [tilespmem:s21+$0x6560];
	v8 =	vadd.f32 v8, v10  }
0x61: {  	v10 =	vld [tilespmem:s21+$0x6570];
	v14 =	vadd.f32 v17, v14;
	v6 =	vadd.f32 v6, v9  }
0x62: {  	v9 =	vadd.f32 v16, v11;
	v11 =	vld [tilespmem:s21+$0x65A0];
	v7 =	vadd.f32 v7, v8  }
0x63: {  	v8 =	vld [tilespmem:s21+$0x65B0];
	v13 =	vadd.f32 v13, v14;
	v4 =	vadd.f32 v4, v6  }
0x64: {  	v6 =	vadd.f32 v15, v9;
	v9 =	vld [tilespmem:s21+$0x65E0];
	v5 =	vadd.f32 v5, v7  }
0x65: {  	v7 =	vld [tilespmem:s21+$0x65F0];
	v12 =	vadd.f32 v12, v13;
	v2 =	vadd.f32 v2, v4  }
0x66: {  	v4 =	vadd.f32 v10, v6;
	v3 =	vadd.f32 v3, v5  }
0x67: {  	v5 =	vadd.f32 v11, v12;
	v0 =	vadd.f32 v0, v2  }
0x68: {  	v2 =	vadd.f32 v8, v4;
	v1 =	vadd.f32 v1, v3  }
0x69: {  	s31 =	sshll.u32 s20, $0x7;
	v3 =	vadd.f32 v9, v5;
	v0 =	vmul.f32 $4.999999890e-03, v0  }
0x6a: {  	p0 =	seq.s32 s20, $0x3F;
	s21 =	sand.u32 $0x3FFFFF80, s31;
	v2 =	vadd.f32 v7, v2;
	v1 =	vmul.f32 $4.999999890e-03, v1  }
0x6b: {  	s22 =	smul.u32 @!p0 $0x640, s20;
	[tilespmem:s21+$0xC800] =	vst v0;
	v0 =	vmul.f32 $4.999999890e-03, v3  }
0x6c: {  	[tilespmem:s21+$0xC810] =	vst v1;
	v1 =	vmul.f32 $4.999999890e-03, v2  }
0x6d: {  	s22 =	sshra.s32 @!p0 s22, $0x2;
	[tilespmem:s21+$0xC820] =	vst v0  }
0x6e: {  	s24 =	simm.s32 @!p0 $0x80;
	s25 =	simm.s32 @!p0 $0x6400;
	s23 =	sadd.s32 @!p0 $0x190, s22;
	[tilespmem:s21+$0xC830] =	vst v1  }
0x6f: {  	[tilespmem:s25], [sflag:$0x1] =	stream.indirect.gather @!p0 [hbm4b:s3+s24], $0x40, s23, s24, $0xb8;
	[tilespmem:$0xE800] =	vst v63  }
0x70: {  	s22 =	sadd.s32 @!p0 $0x210, s22;
	s23 =	simm.s32 @!p0 $0x48;
	s24 =	simm.s32 @!p0 $0x8400  }
0x71: {  	[tilespmem:s24], [sflag:$0x1] =	stream.indirect.gather @!p0 [hbm4b:s3+s23], $0x40, s22, s23, $0xb8;
	[tilespmem:$0xE800] =	vst v63  }
0x72: {  	_ =	swait.ge [sflag:s17], $0x2000  }
0x73: {  	[sflag:s17] =	ssyncset.done $0x0  }
0x74: {  	[sflag:s17] =	ssyncadd.s32 $0xFFFFE000  }
0x75: {  	_ =	swait.ge [sflag:s17], $0x1200  }
0x76: {  	[sflag:s17] =	ssyncset.done $0x0  }
0x77: {  	s22 =	simm.s32 $0x0;
	[sflag:s17] =	ssyncadd.s32 $0xFFFFEE00  }
0x78: {  	v0 =	vld [tilespmem:s22+$0x97C0]  }
0x79: {  	v1 =	vld [tilespmem:s22+$0x97D0]  }
0x7a: {  	v2 =	vld [tilespmem:s22+$0x9780]  }
0x7b: {  	v3 =	vld [tilespmem:s22+$0x9790]  }
0x7c: {  	v4 =	vld [tilespmem:s22+$0x9740]  }
0x7d: {  	v5 =	vld [tilespmem:s22+$0x9750]  }
0x7e: {  	v6 =	vld [tilespmem:s22+$0x9700]  }
0x7f: {  	v7 =	vld [tilespmem:s22+$0x9710]  }
0x80: {  	v9 =	vld [tilespmem:s22+$0x96C0]  }
0x81: {  	v8 =	vld [tilespmem:s22+$0x96D0]  }
0x82: {  	v11 =	vld [tilespmem:s22+$0x9680]  }
0x83: {  	v10 =	vld [tilespmem:s22+$0x9690]  }
0x84: {  	v17 =	vld [tilespmem:s22+$0x9640]  }
0x85: {  	v16 =	vld [tilespmem:s22+$0x9650]  }
0x86: {  	v19 =	vld [tilespmem:s22+$0x9600]  }
0x87: {  	v14 =	vimm.f32 $0.0e+00;
	v20 =	vld [tilespmem:s22+$0x9610]  }
0x88: {  	v15 =	vimm.f32 $0.0e+00;
	v13 =	vimm.f32 $0.0e+00;
	v12 =	vimm.f32 $0.0e+00;
	s23 =	simm.s32 $0x800;
	v18 =	vld [tilespmem:s22+$0x9620]  }
.LBB2_5:
0x89: {  	p1 =	sne.s32 s23, $0xC000;
	v21 =	vld [tilespmem:s22+$0x9630]  }
0x8a: {  	v22 =	vld [tilespmem:s22+$0x9660]  }
0x8b: {  	v23 =	vld [tilespmem:s22+$0x9670]  }
0x8c: {  	v24 =	vld [tilespmem:s22+$0x96A0]  }
0x8d: {  	v12 =	vadd.f32 v19, v12;
	v15 =	vadd.f32 v20, v15;
	v19 =	vld [tilespmem:s22+$0x96B0]  }
0x8e: {  	v14 =	vadd.f32 v18, v14;
	v13 =	vadd.f32 v21, v13;
	v18 =	vld [tilespmem:s22+$0x96E0]  }
0x8f: {  	v12 =	vadd.f32 v17, v12;
	v15 =	vadd.f32 v16, v15;
	v16 =	vld [tilespmem:s22+$0x96F0]  }
0x90: {  	v14 =	vadd.f32 v22, v14;
	v13 =	vadd.f32 v23, v13;
	v17 =	vld [tilespmem:s22+$0x9720]  }
0x91: {  	v11 =	vadd.f32 v11, v12;
	v10 =	vadd.f32 v10, v15;
	v12 =	vld [tilespmem:s22+$0x9730]  }
0x92: {  	v14 =	vadd.f32 v24, v14;
	v13 =	vadd.f32 v19, v13;
	v15 =	vld [tilespmem:s22+$0x9760]  }
0x93: {  	v9 =	vadd.f32 v9, v11;
	v8 =	vadd.f32 v8, v10;
	v10 =	vld [tilespmem:s22+$0x9770]  }
0x94: {  	v11 =	vadd.f32 v18, v14;
	v13 =	vadd.f32 v16, v13;
	v14 =	vld [tilespmem:s22+$0x97A0]  }
0x95: {  	v6 =	vadd.f32 v6, v9;
	v7 =	vadd.f32 v7, v8;
	v8 =	vld [tilespmem:s22+$0x97B0]  }
0x96: {  	v9 =	vadd.f32 v17, v11;
	v11 =	vadd.f32 v12, v13;
	v13 =	vld [tilespmem:s22+$0x97E0]  }
0x97: {  	v4 =	vadd.f32 v4, v6;
	v5 =	vadd.f32 v5, v7;
	v6 =	vld [tilespmem:s22+$0x97F0];
	s22 =	sshra.s32 s23, $0x2  }
0x98: {  	v9 =	vadd.f32 v15, v9;
	v7 =	vld [tilespmem:s22+$0x97C0];
	v10 =	vadd.f32 v10, v11  }
0x99: {  	v4 =	vadd.f32 v2, v4;
	v5 =	vadd.f32 v3, v5;
	v11 =	vld [tilespmem:s22+$0x97D0]  }
0x9a: {  	v9 =	vadd.f32 v14, v9;
	v2 =	vld [tilespmem:s22+$0x9780];
	v8 =	vadd.f32 v8, v10  }
0x9b: {  	v12 =	vadd.f32 v0, v4;
	v15 =	vadd.f32 v1, v5;
	v3 =	vld [tilespmem:s22+$0x9790]  }
0x9c: {  	v14 =	vadd.f32 v13, v9;
	v4 =	vld [tilespmem:s22+$0x9740];
	v13 =	vadd.f32 v6, v8  }
0x9d: {  	v5 =	vld [tilespmem:s22+$0x9750];
	v0 =	vmov v7  }
0x9e: {  	v6 =	vld [tilespmem:s22+$0x9700];
	v1 =	vmov v11  }
0x9f: {  	v7 =	vld [tilespmem:s22+$0x9710]  }
0xa0: {  	v9 =	vld [tilespmem:s22+$0x96C0]  }
0xa1: {  	v8 =	vld [tilespmem:s22+$0x96D0]  }
0xa2: {  	v11 =	vld [tilespmem:s22+$0x9680]  }
0xa3: {  	v10 =	vld [tilespmem:s22+$0x9690]  }
.Ltmp3:
0xa4: {  	v17 =	vld [tilespmem:s22+$0x9640];
	(pc) =	sbr.rel @p1 .LBB2_5-.Ltmp3, $4  }
0xa5: {  	v16 =	vld [tilespmem:s22+$0x9650]  }
0xa6: {  	v19 =	vld [tilespmem:s22+$0x9600]  }
0xa7: {  	v20 =	vld [tilespmem:s22+$0x9610]  }
0xa8: {  	s23 =	sadd.s32 $0x800, s23;
	v18 =	vld [tilespmem:s22+$0x9620]  }
0xa9: {  	v21 =	vld [tilespmem:s22+$0x9630]  }
0xaa: {  	v22 =	vld [tilespmem:s22+$0x9660]  }
0xab: {  	v23 =	vld [tilespmem:s22+$0x9670];
	v12 =	vadd.f32 v19, v12  }
0xac: {  	v42 =	vld [tilespmem:s22+$0x96A0];
	v15 =	vadd.f32 v20, v15  }
0xad: {  	v43 =	vld [tilespmem:s22+$0x96B0];
	v14 =	vadd.f32 v18, v14;
	v12 =	vadd.f32 v17, v12  }
0xae: {  	v44 =	vld [tilespmem:s22+$0x96E0];
	v13 =	vadd.f32 v21, v13;
	v15 =	vadd.f32 v16, v15  }
0xaf: {  	v45 =	vld [tilespmem:s22+$0x96F0];
	v14 =	vadd.f32 v22, v14;
	v11 =	vadd.f32 v11, v12  }
0xb0: {  	v47 =	vld [tilespmem:s22+$0x9720];
	v46 =	vadd.f32 v23, v13;
	v10 =	vadd.f32 v10, v15  }
0xb1: {  	v48 =	vld [tilespmem:s22+$0x9730];
	v14 =	vadd.f32 v42, v14;
	v9 =	vadd.f32 v9, v11  }
0xb2: {  	v50 =	vld [tilespmem:s22+$0x9760];
	v49 =	vadd.f32 v43, v46;
	v8 =	vadd.f32 v8, v10  }
0xb3: {  	v51 =	vld [tilespmem:s22+$0x9770];
	v14 =	vadd.f32 v44, v14;
	v6 =	vadd.f32 v6, v9  }
0xb4: {  	v53 =	vld [tilespmem:s22+$0x97A0];
	v52 =	vadd.f32 v45, v49;
	v7 =	vadd.f32 v7, v8  }
0xb5: {  	v54 =	vld [tilespmem:s22+$0x97B0];
	v13 =	vadd.f32 v47, v14;
	v4 =	vadd.f32 v4, v6  }
0xb6: {  	v56 =	vld [tilespmem:s22+$0x97E0];
	v55 =	vadd.f32 v48, v52;
	v5 =	vadd.f32 v5, v7  }
0xb7: {  	v57 =	vld [tilespmem:s22+$0x97F0];
	v12 =	vadd.f32 v50, v13;
	v2 =	vadd.f32 v2, v4  }
0xb8: {  	v58 =	vadd.f32 v51, v55;
	v3 =	vadd.f32 v3, v5  }
0xb9: {  	v59 =	vadd.f32 v53, v12;
	v0 =	vadd.f32 v0, v2  }
0xba: {  	v60 =	vadd.f32 v54, v58;
	v1 =	vadd.f32 v1, v3  }
0xbb: {  	v61 =	vadd.f32 v56, v59;
	v0 =	vmul.f32 $4.999999890e-03, v0  }
.Ltmp4:
0xbc: {  	v2 =	vadd.f32 v57, v60;
	v1 =	vmul.f32 $4.999999890e-03, v1;
	(pc) =	sbr.rel @p0 .LBB2_8-.Ltmp4, $4  }
0xbd: {  	[tilespmem:s21+$0xC840] =	vst v0;
	v62 =	vmul.f32 $4.999999890e-03, v61  }
0xbe: {  	[tilespmem:s21+$0xC850] =	vst v1;
	v63 =	vmul.f32 $4.999999890e-03, v2  }
0xbf: {  	[tilespmem:s21+$0xC860] =	vst v62  }
0xc0: {  	[tilespmem:s21+$0xC870] =	vst v63  }
0xc1: {  	s21 =	smul.u32 $0x640, s20;
	_ =	sdelay $0x1  }
.Ltmp5:
0xc2: {  	s21 =	sshra.s32 s21, $0x2;
	(pc) =	sbr.rel .LBB2_2-.Ltmp5, $4  }
0xc3: {  	s22 =	sadd.s32 $0x258, s21  }
0xc4: {  	[tilespmem:s13], [sflag:$0x2] =	stream.indirect.gather [hbm4b:s3+s8], $0x40, s22, s8, $0xb8;
	[tilespmem:$0xE800] =	vst v63  }
0xc5: {  	s20 =	sadd.s32 $0x1, s20;
	s21 =	sadd.s32 $0x2D8, s21  }
0xc6: {  	[tilespmem:s15], [sflag:$0x2] =	stream.indirect.gather [hbm4b:s3+s10], $0x40, s21, s10, $0xb8;
	[tilespmem:$0xE800] =	vst v63  }
.LBB2_9:
0xc7: {  	_ =	sfence.sel $0x180000  }
0xc8: {  	[bflag:$0x0] =	sbarrier.arrive $0xFFFF  }
0xc9: {  	p0 =	sne.s32 s0, $0x0;
	_ =	strace $0x90000047  }
0xca: {  	s0 =	sadd.s32 @!p0 $0x100000, s1;
	[bflag:$0x2] =	sbarrier.arrive $0xFFFF  }
0xcb: {  	[sflag:s0] =	ssyncadd.tile.s32 @!p0 $0x1;
	_ =	shalt  }
.Lfunc_end2:
_tile_overlayer_lowered:
.L_overlay_start_2:
0xcc: {  	(tag) =	ssettag $0x2  }
0xcd: {  	s0 =	rddreg [dreg:$0x0];
	s2 =	stileid.u32  }
0xce: {  	s1 =	rddreg [dreg:$0x1];
	p0 =	sne.s32 s2, $0x0  }
0xcf: {  	s3 =	rddreg [dreg:$0x2];
	[bflag:$0x3] =	sbarrier.arrive $0xFFFF;
	s2 =	simm.s32 @!p0 $0x1C03  }
0xd0: {  	[timem:s3], [sflag:s2] =	dma.local @!p0 [hbm:s0], s1  }
0xd1: {  	s0 =	simm.s32 @!p0 $0x3  }
0xd2: {  	_ =	swait.ge @!p0 [sflag:s0], s1  }
0xd3: {  	s1 =	ssub.s32 @!p0 $0x0, s1;
	[sflag:s0] =	ssyncset.done @!p0 $0x0  }
0xd4: {  	[sflag:s0] =	ssyncadd.s32 @!p0 s1  }
0xd5: {  	[bflag:$0x3] =	sbarrier.arrive $0xFFFF  }
0xd6: {  	_ =	shalt  }

</sc_bundles>
